<compile_context>
chip_gen: v7x
topology: tpu7x:2x2x1
jax: 0.10.2.dev20260603
libtpu: 0.0.44.dev20260713+nightly
codegen_flags: <defaults>
</compile_context>

<pallas_src>
import functools
import itertools

import jax
import jax.numpy as jnp
import numpy as np
from jax import lax
from jax.experimental import pallas as pl
from jax.experimental.pallas import tpu as pltpu
from jax.experimental.pallas import tpu_sc as plsc

_F = 26
_V = 100000
_D = 16
_A = 8
_B = 4096
_LANES = _F * _D
_NSLAB = _F // 2
_GROUPS = _F * _V // 8

_SLAB_OFFS = [(o, _F - o) for o in range(1, _NSLAB)] + [(_NSLAB, None)]


def _make_sc_gather(nb):
    info = plsc.get_sparse_core_info()
    nw = info.num_cores * info.num_subcores
    nc = info.num_cores
    bw = nb // nw
    owords = bw * _LANES
    mesh = plsc.VectorSubcoreMesh(core_axis_name="c", subcore_axis_name="s")

    @functools.partial(
        pl.kernel,
        mesh=mesh,
        out_type=jax.ShapeDtypeStruct((nw, owords), jnp.float32),
        compiler_params=pltpu.CompilerParams(use_tc_tiling_on_sc=False,
                                             needs_layout_passes=False),
        scratch_types=[
            pltpu.VMEM((bw * _F,), jnp.int32),
            pltpu.VMEM((owords,), jnp.int32),
            pltpu.VMEM((owords,), jnp.float32),
            pltpu.SemaphoreType.DMA,
        ],
    )
    def gather_k(tab_hbm, rid_hbm, out_hbm, rid_v, eid_v, buf_v, sem):
        wid = lax.axis_index("s") * nc + lax.axis_index("c")
        pltpu.sync_copy(rid_hbm.at[wid], rid_v)
        iota = lax.iota(jnp.int32, 16)
        iv = iota * _V

        def build(p, _):
            r16 = plsc.load_gather(rid_v, [jnp.full((16,), p, jnp.int32)])
            f = lax.rem(p, _F)
            vals = r16 + f * (_D * _V) + iv
            plsc.store_scatter(eid_v, [p * _D + iota], vals)
            return ()

        lax.fori_loop(0, bw * _F, build, ())
        pltpu.async_copy(tab_hbm.at[eid_v], buf_v, sem).wait()
        pltpu.sync_copy(buf_v, out_hbm.at[wid])

    return gather_k, nw


def _attn_body(ep_ref, mh_ref, bat_ref, mv_ref, bv_ref, mt_ref, wo_ref,
               bo_ref, out_ref):
    ep = ep_ref[...]
    bt = ep.shape[0]
    mh = mh_ref[...]
    bat = bat_ref[...]
    mv = mv_ref[...]
    bv = bv_ref[0, 0]
    mt = mt_ref[...]
    wo = wo_ref[...]
    bo = bo_ref[0, 0]

    slabs = []
    for o1, o2 in _SLAB_OFFS:
        w1 = (_F - o1) * _D
        p1 = ep[:, :w1] * ep[:, o1 * _D:]
        if o2 is None:
            p1 = jnp.pad(p1, ((0, 0), (0, _LANES - w1)))
        else:
            w2 = (_F - o2) * _D
            p2 = ep[:, :w2] * ep[:, o2 * _D:]
            p1 = jnp.concatenate([p1, p2], axis=1)
        slabs.append(p1)
    bi = jnp.stack(slabs, axis=0)
    bi2 = bi.reshape(_NSLAB * bt, _LANES)

    h = jnp.maximum(
        jnp.dot(bi2, mh, preferred_element_type=jnp.float32) + bat, 0.0)
    lexp = (jnp.dot(h, mv, preferred_element_type=jnp.float32)
            + bv).reshape(_NSLAB, bt, _LANES)

    lane = lax.broadcasted_iota(jnp.int32, (1, 1, _LANES), 2)
    slab = lax.broadcasted_iota(jnp.int32, (_NSLAB, 1, 1), 0)
    valid = (slab < _NSLAB - 1) | (lane < (_F - _NSLAB) * _D)
    lm = jnp.where(valid, lexp, -1e30)

    m = jnp.max(jnp.max(lm, axis=0), axis=-1, keepdims=True)
    ex = jnp.exp(lm - m[None])
    s = jnp.sum(jnp.sum(ex, axis=0), axis=-1, keepdims=True) * (1.0 / _D)
    score = ex / s[None]

    weighted = (bi * score).reshape(_NSLAB * bt, _LANES)
    xs = jnp.dot(weighted, mt,
                 preferred_element_type=jnp.float32)
    x = jnp.sum(xs.reshape(_NSLAB, bt, _D), axis=0)

    z = jnp.sum(x * wo, axis=1, keepdims=True) + bo
    out_ref[...] = jax.nn.sigmoid(z)


def _attn_call(ep, mh, bat, mv, bv, mt, wo, bo, btile):
    nb = ep.shape[0]
    grid = (nb // btile,)
    return pl.pallas_call(
        _attn_body,
        grid=grid,
        in_specs=[
            pl.BlockSpec((btile, _LANES), lambda i: (i, 0)),
            pl.BlockSpec((_LANES, _F * _A), lambda i: (0, 0)),
            pl.BlockSpec((1, _F * _A), lambda i: (0, 0)),
            pl.BlockSpec((_F * _A, _LANES), lambda i: (0, 0)),
            pl.BlockSpec((1, 1), lambda i: (0, 0)),
            pl.BlockSpec((_LANES, _D), lambda i: (0, 0)),
            pl.BlockSpec((1, _D), lambda i: (0, 0)),
            pl.BlockSpec((1, 1), lambda i: (0, 0)),
        ],
        out_specs=pl.BlockSpec((btile, 1), lambda i: (i, 0)),
        out_shape=jax.ShapeDtypeStruct((nb, 1), jnp.float32),
    )(ep, mh, bat, mv, bv, mt, wo, bo)


def kernel(inputs, tables, W_att, b_att, v_att, b_v, W_out, b_out):
    nh = _B // 2
    gather_k, nw = _make_sc_gather(nh)
    tab_flat = jnp.transpose(tables, (0, 2, 1)).reshape(_F * _D * _V)
    rid = inputs.astype(jnp.int32).reshape(2, nw, (nh // nw) * _F)
    emb1 = gather_k(tab_flat, rid[0]).reshape(nh, _LANES)
    emb2 = gather_k(tab_flat, rid[1]).reshape(nh, _LANES)

    eye_f = jnp.eye(_F, dtype=jnp.float32)
    mh = jnp.kron(eye_f, W_att)
    bat = jnp.tile(b_att, _F).reshape(1, _F * _A)
    mv = jnp.kron(eye_f, v_att * jnp.ones((1, _D)))
    mt = jnp.kron(jnp.ones((_F, 1), jnp.float32),
                  jnp.eye(_D, dtype=jnp.float32))

    wargs = (mh, bat, mv, b_v.reshape(1, 1), mt, W_out.reshape(1, _D),
             b_out.reshape(1, 1))
    out1 = _attn_call(emb1, *wargs, btile=512)
    out2 = _attn_call(emb2, *wargs, btile=512)
    return jnp.concatenate([out1, out2], axis=0)

# --- scband reference (transcript-rebuilt; emitter-appended) ---
"""Pipeline reference for scband-afm-20864951124088 (READ-ONLY COPY).

The authoritative reference and input builder live on the scoring server;
editing this copy changes nothing except your own understanding.
"""

import itertools
import jax, jax.numpy as jnp
import numpy as np

NUM_FIELDS = 26
VOCAB = 100000
EMBED_DIM = 16
ATT_DIM = 8
BATCH = 4096

_ROW, _COL = zip(*itertools.combinations(range(NUM_FIELDS), 2))
ROW_IDX = np.array(_ROW, dtype=np.int32)
COL_IDX = np.array(_COL, dtype=np.int32)


def setup_inputs(seed: int = 0) -> dict:
    key = jax.random.key(seed)
    ks = jax.random.split(key, 6)
    inputs = jax.random.randint(ks[0], (BATCH, NUM_FIELDS), 0, VOCAB)
    # one embedding table per sparse field, stacked: [F, vocab, dim]
    tables = jax.random.normal(ks[1], (NUM_FIELDS, VOCAB, EMBED_DIM), dtype=jnp.float32) * 0.05
    W_att = jax.random.normal(ks[2], (EMBED_DIM, ATT_DIM), dtype=jnp.float32) * 0.1
    b_att = jnp.zeros((ATT_DIM,), dtype=jnp.float32)
    v_att = jax.random.normal(ks[3], (ATT_DIM, 1), dtype=jnp.float32) * 0.1
    b_v = jnp.zeros((1,), dtype=jnp.float32)
    W_out = jax.random.normal(ks[4], (EMBED_DIM, 1), dtype=jnp.float32) * 0.1
    b_out = jnp.zeros((1,), dtype=jnp.float32)
    return {"inputs": inputs, "tables": tables, "W_att": W_att, "b_att": b_att,
            "v_att": v_att, "b_v": b_v, "W_out": W_out, "b_out": b_out}


def reference(inputs, tables, W_att, b_att, v_att, b_v, W_out, b_out):
    # per-field embedding lookup -> [B, F, D]
    emb = jax.vmap(lambda t, idx: jnp.take(t, idx, axis=0), in_axes=(0, 1), out_axes=1)(tables, inputs)
    # pairwise interactions over field combinations
    p = jnp.take(emb, jnp.asarray(ROW_IDX), axis=1)
    q = jnp.take(emb, jnp.asarray(COL_IDX), axis=1)
    bi_interaction = p * q  # [B, F*(F-1)/2, D]
    # attention pooling (mode='att')
    a = jax.nn.relu(bi_interaction @ W_att + b_att)
    a = a @ v_att + b_v  # [B, P, 1]
    a_score = jax.nn.softmax(a, axis=1)
    x = jnp.sum(bi_interaction * a_score, axis=1)  # [B, D]
    # dropout is identity at inference (rate applied only in training)
    outputs = jax.nn.sigmoid(x @ W_out + b_out)  # [B, 1]
    return outputs

if __name__ == "__main__":
    import jax
    _d = setup_inputs()
    print(jax.jit(kernel)(*tuple(_d.values())))

</pallas_src>

<mosaic_0001>
#map = affine_map<(d0, d1) -> (0)>
#map1 = affine_map<(d0, d1) -> (0, 0)>
module attributes {stable_mosaic.version = 14 : i64} {
  func.func @gather_k(%arg0: i32, %arg1: i32, %arg2: memref<41600000xf32, #tpu.memory_space<hbm>>, %arg3: memref<32x1664xi32, #tpu.memory_space<hbm>>, %arg4: memref<32x26624xf32, #tpu.memory_space<hbm>>, %arg5: memref<1664xi32, #tpu.memory_space<vmem>>, %arg6: memref<26624xi32, #tpu.memory_space<vmem>>, %arg7: memref<26624xf32, #tpu.memory_space<vmem>>, %arg8: memref<!tpu.dma_semaphore, #tpu.memory_space<semaphore_mem>>) attributes {dimension_semantics = [#tpu.dimension_semantics<core_parallel>, #tpu.dimension_semantics<subcore_parallel>], iteration_bounds = array<i64: 2, 16>, scalar_prefetch = 0 : i64, scratch_operands = 4 : i64, tpu.core_type = #tpu.core_type<sc_vector_subcore>, window_params = [{transform_indices = #map}, {transform_indices = #map1}, {transform_indices = #map1}]} {
    %mul3A = arith.constant 2 : i32
    %mul3A_0 = arith.muli %arg1, %mul3A : i32
    %add3A = arith.addi %mul3A_0, %arg0 : i32
    "tpu.region"() ({
      %run_scoped3A = tpu.sem_alloc : memref<!tpu.dma_semaphore, #tpu.memory_space<semaphore_mem>>
      %dma_start3A_10 = arith.constant 0 : i32
      %dma_start3A_11 = tpu.memref_slice %arg3[%add3A, %dma_start3A_10] : memref<32x1664xi32, #tpu.memory_space<hbm>> -> memref<1x1664xi32, #tpu.memory_space<hbm>>
      %dma_start3A_12 = tpu.memref_squeeze %dma_start3A_11 : memref<1x1664xi32, #tpu.memory_space<hbm>> -> memref<1664xi32, #tpu.memory_space<hbm>>
      %dma_start3A_13 = arith.constant 0 : i32
      %dma_start3A_14 = tpu.memref_slice %arg3[%add3A, %dma_start3A_13] : memref<32x1664xi32, #tpu.memory_space<hbm>> -> memref<1x1664xi32, #tpu.memory_space<hbm>>
      %dma_start3A_15 = tpu.memref_squeeze %dma_start3A_14 : memref<1x1664xi32, #tpu.memory_space<hbm>> -> memref<1664xi32, #tpu.memory_space<hbm>>
      tpu.enqueue_dma source(%dma_start3A_15 : memref<1664xi32, #tpu.memory_space<hbm>>) target(%arg5 : memref<1664xi32, #tpu.memory_space<vmem>>) target_semaphore(%run_scoped3A : memref<!tpu.dma_semaphore, #tpu.memory_space<semaphore_mem>>)
      %dma_wait3A_16 = arith.constant 0 : i32
      %dma_wait3A_17 = tpu.memref_slice %arg3[%add3A, %dma_wait3A_16] : memref<32x1664xi32, #tpu.memory_space<hbm>> -> memref<1x1664xi32, #tpu.memory_space<hbm>>
      %dma_wait3A_18 = tpu.memref_squeeze %dma_wait3A_17 : memref<1x1664xi32, #tpu.memory_space<hbm>> -> memref<1664xi32, #tpu.memory_space<hbm>>
      %dma_wait3A_19 = arith.constant 0 : i32
      %dma_wait3A_20 = tpu.memref_slice %arg3[%add3A, %dma_wait3A_19] : memref<32x1664xi32, #tpu.memory_space<hbm>> -> memref<1x1664xi32, #tpu.memory_space<hbm>>
      %dma_wait3A_21 = tpu.memref_squeeze %dma_wait3A_20 : memref<1x1664xi32, #tpu.memory_space<hbm>> -> memref<1664xi32, #tpu.memory_space<hbm>>
      tpu.wait_dma2 semaphore(%run_scoped3A : memref<!tpu.dma_semaphore, #tpu.memory_space<semaphore_mem>>) src(%dma_wait3A_21 : memref<1664xi32, #tpu.memory_space<hbm>>) dst(%arg5 : memref<1664xi32, #tpu.memory_space<vmem>>)
      tpu.yield
    }) : () -> ()
    %iota3A = tpu.iota {dimensions = array<i32: 0>} : vector<16xi32>
    %mul3A_1 = arith.constant 100000 : i32
    %mul3A_2 = vector.broadcast %mul3A_1 : i32 to vector<16xi32>
    %mul3A_3 = arith.muli %iota3A, %mul3A_2 : vector<16xi32>
    %scan3A = arith.constant 0 : i32
    %scan3A_4 = arith.constant 1664 : i32
    %scan3A_5 = arith.addi %scan3A, %scan3A_4 : i32
    %scan3A_6 = arith.constant 1 : i32
    scf.for %scan3A_10 = %scan3A to %scan3A_5 step %scan3A_6  : i32 {
      %broadcast_in_dim3A = vector.broadcast %scan3A_10 : i32 to vector<16xi32>
      %gather3A = tpu.vector_load_idx %arg5[%broadcast_in_dim3A] : memref<1664xi32, #tpu.memory_space<vmem>>[vector<16xi32>], vector<16xi32>,
      %rem3A = arith.constant 26 : i32
      %rem3A_11 = arith.remsi %scan3A_10, %rem3A : i32
      %mul3A_12 = arith.constant 1600000 : i32
      %mul3A_13 = arith.muli %rem3A_11, %mul3A_12 : i32
      %add3A_14 = vector.broadcast %mul3A_13 : i32 to vector<16xi32>
      %add3A_15 = arith.addi %gather3A, %add3A_14 : vector<16xi32>
      %add3A_16 = arith.addi %add3A_15, %mul3A_3 : vector<16xi32>
      %mul3A_17 = arith.constant 16 : i32
      %mul3A_18 = arith.muli %scan3A_10, %mul3A_17 : i32
      %add3A_19 = vector.broadcast %mul3A_18 : i32 to vector<16xi32>
      %add3A_20 = arith.addi %add3A_19, %iota3A : vector<16xi32>
      tpu.vector_store_idx %arg6[%add3A_20], %add3A_16 : memref<26624xi32, #tpu.memory_space<vmem>>[vector<16xi32>], vector<16xi32>,
    }
    %scan3A_7 = arith.constant 1664 : i32
    %dma_start3A = arith.constant 0 : i32
    %dma_start3A_8 = tpu.memref_slice %arg2[%dma_start3A] : memref<41600000xf32, #tpu.memory_space<hbm>> -> memref<41600000xf32, #tpu.memory_space<hbm>>
    tpu.enqueue_indirect_dma source(%dma_start3A_8 : memref<41600000xf32, #tpu.memory_space<hbm>>) target(%arg7 : memref<26624xf32, #tpu.memory_space<vmem>>) offsets(%arg6 : memref<26624xi32, #tpu.memory_space<vmem>>) semaphore(%arg8 : memref<!tpu.dma_semaphore, #tpu.memory_space<semaphore_mem>>)
    %dma_wait3A = arith.constant 0 : i32
    %dma_wait3A_9 = tpu.memref_slice %arg2[%dma_wait3A] : memref<41600000xf32, #tpu.memory_space<hbm>> -> memref<41600000xf32, #tpu.memory_space<hbm>>
    tpu.wait_indirect_dma semaphore(%arg8 : memref<!tpu.dma_semaphore, #tpu.memory_space<semaphore_mem>>) src(%dma_wait3A_9 : memref<41600000xf32, #tpu.memory_space<hbm>>) dst(%arg7 : memref<26624xf32, #tpu.memory_space<vmem>>)
    "tpu.region"() ({
      %run_scoped3A = tpu.sem_alloc : memref<!tpu.dma_semaphore, #tpu.memory_space<semaphore_mem>>
      %dma_start3A_10 = arith.constant 0 : i32
      %dma_start3A_11 = tpu.memref_slice %arg4[%add3A, %dma_start3A_10] : memref<32x26624xf32, #tpu.memory_space<hbm>> -> memref<1x26624xf32, #tpu.memory_space<hbm>>
      %dma_start3A_12 = tpu.memref_squeeze %dma_start3A_11 : memref<1x26624xf32, #tpu.memory_space<hbm>> -> memref<26624xf32, #tpu.memory_space<hbm>>
      %dma_start3A_13 = arith.constant 0 : i32
      %dma_start3A_14 = tpu.memref_slice %arg4[%add3A, %dma_start3A_13] : memref<32x26624xf32, #tpu.memory_space<hbm>> -> memref<1x26624xf32, #tpu.memory_space<hbm>>
      %dma_start3A_15 = tpu.memref_squeeze %dma_start3A_14 : memref<1x26624xf32, #tpu.memory_space<hbm>> -> memref<26624xf32, #tpu.memory_space<hbm>>
      tpu.enqueue_dma source(%arg7 : memref<26624xf32, #tpu.memory_space<vmem>>) target(%dma_start3A_15 : memref<26624xf32, #tpu.memory_space<hbm>>) target_semaphore(%run_scoped3A : memref<!tpu.dma_semaphore, #tpu.memory_space<semaphore_mem>>)
      %dma_wait3A_16 = arith.constant 0 : i32
      %dma_wait3A_17 = tpu.memref_slice %arg4[%add3A, %dma_wait3A_16] : memref<32x26624xf32, #tpu.memory_space<hbm>> -> memref<1x26624xf32, #tpu.memory_space<hbm>>
      %dma_wait3A_18 = tpu.memref_squeeze %dma_wait3A_17 : memref<1x26624xf32, #tpu.memory_space<hbm>> -> memref<26624xf32, #tpu.memory_space<hbm>>
      %dma_wait3A_19 = arith.constant 0 : i32
      %dma_wait3A_20 = tpu.memref_slice %arg4[%add3A, %dma_wait3A_19] : memref<32x26624xf32, #tpu.memory_space<hbm>> -> memref<1x26624xf32, #tpu.memory_space<hbm>>
      %dma_wait3A_21 = tpu.memref_squeeze %dma_wait3A_20 : memref<1x26624xf32, #tpu.memory_space<hbm>> -> memref<26624xf32, #tpu.memory_space<hbm>>
      tpu.wait_dma2 semaphore(%run_scoped3A : memref<!tpu.dma_semaphore, #tpu.memory_space<semaphore_mem>>) src(%arg7 : memref<26624xf32, #tpu.memory_space<vmem>>) dst(%dma_wait3A_21 : memref<26624xf32, #tpu.memory_space<hbm>>)
      tpu.yield
    }) : () -> ()
    return
  }
}

#map = affine_map<(d0, d1) -> (0)>
#map1 = affine_map<(d0, d1) -> (0, 0)>
module attributes {stable_mosaic.version = 14 : i64} {
  func.func @gather_k(%arg0: i32, %arg1: i32, %arg2: memref<41600000xf32, #tpu.memory_space<hbm>>, %arg3: memref<32x1664xi32, #tpu.memory_space<hbm>>, %arg4: memref<32x26624xf32, #tpu.memory_space<hbm>>, %arg5: memref<1664xi32, #tpu.memory_space<vmem>>, %arg6: memref<26624xi32, #tpu.memory_space<vmem>>, %arg7: memref<26624xf32, #tpu.memory_space<vmem>>, %arg8: memref<!tpu.dma_semaphore, #tpu.memory_space<semaphore_mem>>) attributes {dimension_semantics = [#tpu.dimension_semantics<core_parallel>, #tpu.dimension_semantics<subcore_parallel>], iteration_bounds = array<i64: 2, 16>, scalar_prefetch = 0 : i64, scratch_operands = 4 : i64, tpu.core_type = #tpu.core_type<sc_vector_subcore>, window_params = [{transform_indices = #map}, {transform_indices = #map1}, {transform_indices = #map1}]} {
    %mul3A = arith.constant 2 : i32
    %mul3A_0 = arith.muli %arg1, %mul3A : i32
    %add3A = arith.addi %mul3A_0, %arg0 : i32
    "tpu.region"() ({
      %run_scoped3A = tpu.sem_alloc : memref<!tpu.dma_semaphore, #tpu.memory_space<semaphore_mem>>
      %dma_start3A_10 = arith.constant 0 : i32
      %dma_start3A_11 = tpu.memref_slice %arg3[%add3A, %dma_start3A_10] : memref<32x1664xi32, #tpu.memory_space<hbm>> -> memref<1x1664xi32, #tpu.memory_space<hbm>>
      %dma_start3A_12 = tpu.memref_squeeze %dma_start3A_11 : memref<1x1664xi32, #tpu.memory_space<hbm>> -> memref<1664xi32, #tpu.memory_space<hbm>>
      %dma_start3A_13 = arith.constant 0 : i32
      %dma_start3A_14 = tpu.memref_slice %arg3[%add3A, %dma_start3A_13] : memref<32x1664xi32, #tpu.memory_space<hbm>> -> memref<1x1664xi32, #tpu.memory_space<hbm>>
      %dma_start3A_15 = tpu.memref_squeeze %dma_start3A_14 : memref<1x1664xi32, #tpu.memory_space<hbm>> -> memref<1664xi32, #tpu.memory_space<hbm>>
      tpu.enqueue_dma source(%dma_start3A_15 : memref<1664xi32, #tpu.memory_space<hbm>>) target(%arg5 : memref<1664xi32, #tpu.memory_space<vmem>>) target_semaphore(%run_scoped3A : memref<!tpu.dma_semaphore, #tpu.memory_space<semaphore_mem>>)
      %dma_wait3A_16 = arith.constant 0 : i32
      %dma_wait3A_17 = tpu.memref_slice %arg3[%add3A, %dma_wait3A_16] : memref<32x1664xi32, #tpu.memory_space<hbm>> -> memref<1x1664xi32, #tpu.memory_space<hbm>>
      %dma_wait3A_18 = tpu.memref_squeeze %dma_wait3A_17 : memref<1x1664xi32, #tpu.memory_space<hbm>> -> memref<1664xi32, #tpu.memory_space<hbm>>
      %dma_wait3A_19 = arith.constant 0 : i32
      %dma_wait3A_20 = tpu.memref_slice %arg3[%add3A, %dma_wait3A_19] : memref<32x1664xi32, #tpu.memory_space<hbm>> -> memref<1x1664xi32, #tpu.memory_space<hbm>>
      %dma_wait3A_21 = tpu.memref_squeeze %dma_wait3A_20 : memref<1x1664xi32, #tpu.memory_space<hbm>> -> memref<1664xi32, #tpu.memory_space<hbm>>
      tpu.wait_dma2 semaphore(%run_scoped3A : memref<!tpu.dma_semaphore, #tpu.memory_space<semaphore_mem>>) src(%dma_wait3A_21 : memref<1664xi32, #tpu.memory_space<hbm>>) dst(%arg5 : memref<1664xi32, #tpu.memory_space<vmem>>)
      tpu.yield
    }) : () -> ()
    %iota3A = tpu.iota {dimensions = array<i32: 0>} : vector<16xi32>
    %mul3A_1 = arith.constant 100000 : i32
    %mul3A_2 = vector.broadcast %mul3A_1 : i32 to vector<16xi32>
    %mul3A_3 = arith.muli %iota3A, %mul3A_2 : vector<16xi32>
    %scan3A = arith.constant 0 : i32
    %scan3A_4 = arith.constant 1664 : i32
    %scan3A_5 = arith.addi %scan3A, %scan3A_4 : i32
    %scan3A_6 = arith.constant 1 : i32
    scf.for %scan3A_10 = %scan3A to %scan3A_5 step %scan3A_6  : i32 {
      %broadcast_in_dim3A = vector.broadcast %scan3A_10 : i32 to vector<16xi32>
      %gather3A = tpu.vector_load_idx %arg5[%broadcast_in_dim3A] : memref<1664xi32, #tpu.memory_space<vmem>>[vector<16xi32>], vector<16xi32>,
      %rem3A = arith.constant 26 : i32
      %rem3A_11 = arith.remsi %scan3A_10, %rem3A : i32
      %mul3A_12 = arith.constant 1600000 : i32
      %mul3A_13 = arith.muli %rem3A_11, %mul3A_12 : i32
      %add3A_14 = vector.broadcast %mul3A_13 : i32 to vector<16xi32>
      %add3A_15 = arith.addi %gather3A, %add3A_14 : vector<16xi32>
      %add3A_16 = arith.addi %add3A_15, %mul3A_3 : vector<16xi32>
      %mul3A_17 = arith.constant 16 : i32
      %mul3A_18 = arith.muli %scan3A_10, %mul3A_17 : i32
      %add3A_19 = vector.broadcast %mul3A_18 : i32 to vector<16xi32>
      %add3A_20 = arith.addi %add3A_19, %iota3A : vector<16xi32>
      tpu.vector_store_idx %arg6[%add3A_20], %add3A_16 : memref<26624xi32, #tpu.memory_space<vmem>>[vector<16xi32>], vector<16xi32>,
    }
    %scan3A_7 = arith.constant 1664 : i32
    %dma_start3A = arith.constant 0 : i32
    %dma_start3A_8 = tpu.memref_slice %arg2[%dma_start3A] : memref<41600000xf32, #tpu.memory_space<hbm>> -> memref<41600000xf32, #tpu.memory_space<hbm>>
    tpu.enqueue_indirect_dma source(%dma_start3A_8 : memref<41600000xf32, #tpu.memory_space<hbm>>) target(%arg7 : memref<26624xf32, #tpu.memory_space<vmem>>) offsets(%arg6 : memref<26624xi32, #tpu.memory_space<vmem>>) semaphore(%arg8 : memref<!tpu.dma_semaphore, #tpu.memory_space<semaphore_mem>>)
    %dma_wait3A = arith.constant 0 : i32
    %dma_wait3A_9 = tpu.memref_slice %arg2[%dma_wait3A] : memref<41600000xf32, #tpu.memory_space<hbm>> -> memref<41600000xf32, #tpu.memory_space<hbm>>
    tpu.wait_indirect_dma semaphore(%arg8 : memref<!tpu.dma_semaphore, #tpu.memory_space<semaphore_mem>>) src(%dma_wait3A_9 : memref<41600000xf32, #tpu.memory_space<hbm>>) dst(%arg7 : memref<26624xf32, #tpu.memory_space<vmem>>)
    "tpu.region"() ({
      %run_scoped3A = tpu.sem_alloc : memref<!tpu.dma_semaphore, #tpu.memory_space<semaphore_mem>>
      %dma_start3A_10 = arith.constant 0 : i32
      %dma_start3A_11 = tpu.memref_slice %arg4[%add3A, %dma_start3A_10] : memref<32x26624xf32, #tpu.memory_space<hbm>> -> memref<1x26624xf32, #tpu.memory_space<hbm>>
      %dma_start3A_12 = tpu.memref_squeeze %dma_start3A_11 : memref<1x26624xf32, #tpu.memory_space<hbm>> -> memref<26624xf32, #tpu.memory_space<hbm>>
      %dma_start3A_13 = arith.constant 0 : i32
      %dma_start3A_14 = tpu.memref_slice %arg4[%add3A, %dma_start3A_13] : memref<32x26624xf32, #tpu.memory_space<hbm>> -> memref<1x26624xf32, #tpu.memory_space<hbm>>
      %dma_start3A_15 = tpu.memref_squeeze %dma_start3A_14 : memref<1x26624xf32, #tpu.memory_space<hbm>> -> memref<26624xf32, #tpu.memory_space<hbm>>
      tpu.enqueue_dma source(%arg7 : memref<26624xf32, #tpu.memory_space<vmem>>) target(%dma_start3A_15 : memref<26624xf32, #tpu.memory_space<hbm>>) target_semaphore(%run_scoped3A : memref<!tpu.dma_semaphore, #tpu.memory_space<semaphore_mem>>)
      %dma_wait3A_16 = arith.constant 0 : i32
      %dma_wait3A_17 = tpu.memref_slice %arg4[%add3A, %dma_wait3A_16] : memref<32x26624xf32, #tpu.memory_space<hbm>> -> memref<1x26624xf32, #tpu.memory_space<hbm>>
      %dma_wait3A_18 = tpu.memref_squeeze %dma_wait3A_17 : memref<1x26624xf32, #tpu.memory_space<hbm>> -> memref<26624xf32, #tpu.memory_space<hbm>>
      %dma_wait3A_19 = arith.constant 0 : i32
      %dma_wait3A_20 = tpu.memref_slice %arg4[%add3A, %dma_wait3A_19] : memref<32x26624xf32, #tpu.memory_space<hbm>> -> memref<1x26624xf32, #tpu.memory_space<hbm>>
      %dma_wait3A_21 = tpu.memref_squeeze %dma_wait3A_20 : memref<1x26624xf32, #tpu.memory_space<hbm>> -> memref<26624xf32, #tpu.memory_space<hbm>>
      tpu.wait_dma2 semaphore(%run_scoped3A : memref<!tpu.dma_semaphore, #tpu.memory_space<semaphore_mem>>) src(%arg7 : memref<26624xf32, #tpu.memory_space<vmem>>) dst(%dma_wait3A_21 : memref<26624xf32, #tpu.memory_space<hbm>>)
      tpu.yield
    }) : () -> ()
    return
  }
}

module attributes {stable_mosaic.version = 14 : i64} {
  func.func @_attn_body(%arg0: i32, %arg1: memref<512x416xf32, #tpu.memory_space<vmem>>, %arg2: memref<416x208xf32, #tpu.memory_space<vmem>>, %arg3: memref<1x208xf32, #tpu.memory_space<vmem>>, %arg4: memref<208x416xf32, #tpu.memory_space<vmem>>, %arg5: memref<1x1xf32, #tpu.memory_space<vmem>>, %arg6: memref<416x16xf32, #tpu.memory_space<vmem>>, %arg7: memref<1x16xf32, #tpu.memory_space<vmem>>, %arg8: memref<1x1xf32, #tpu.memory_space<vmem>>, %arg9: memref<512x1xf32, #tpu.memory_space<vmem>>) attributes {dimension_semantics = [#tpu.dimension_semantics<arbitrary>], iteration_bounds = array<i64: 4>, scalar_prefetch = 0 : i64, scratch_operands = 0 : i64, tpu.core_type = #tpu.core_type<tc>, window_params = [{transform_indices = @transform_0, window_bounds = array<i64: 512, 416>}, {pipeline_mode = #tpu.pipeline_mode<synchronous>, transform_indices = @transform_1, window_bounds = array<i64: 416, 208>}, {pipeline_mode = #tpu.pipeline_mode<synchronous>, transform_indices = @transform_2, window_bounds = array<i64: 1, 208>}, {pipeline_mode = #tpu.pipeline_mode<synchronous>, transform_indices = @transform_3, window_bounds = array<i64: 208, 416>}, {pipeline_mode = #tpu.pipeline_mode<synchronous>, transform_indices = @transform_4, window_bounds = array<i64: 1, 1>}, {pipeline_mode = #tpu.pipeline_mode<synchronous>, transform_indices = @transform_5, window_bounds = array<i64: 416, 16>}, {pipeline_mode = #tpu.pipeline_mode<synchronous>, transform_indices = @transform_6, window_bounds = array<i64: 1, 16>}, {pipeline_mode = #tpu.pipeline_mode<synchronous>, transform_indices = @transform_7, window_bounds = array<i64: 1, 1>}, {transform_indices = @transform_8, window_bounds = array<i64: 512, 1>}]} {
    %get3A = arith.constant 0 : index
    %get3A_0 = arith.constant 0 : index
    %get3A_1 = vector.load %arg1[%get3A, %get3A_0] : memref<512x416xf32, #tpu.memory_space<vmem>>, vector<512x416xf32>
    %get3A_2 = arith.constant 0 : index
    %get3A_3 = arith.constant 0 : index
    %get3A_4 = vector.load %arg2[%get3A_2, %get3A_3] : memref<416x208xf32, #tpu.memory_space<vmem>>, vector<416x208xf32>
    %get3A_5 = arith.constant 0 : index
    %get3A_6 = arith.constant 0 : index
    %get3A_7 = vector.load %arg3[%get3A_5, %get3A_6] : memref<1x208xf32, #tpu.memory_space<vmem>>, vector<1x208xf32>
    %get3A_8 = arith.constant 0 : index
    %get3A_9 = arith.constant 0 : index
    %get3A_10 = vector.load %arg4[%get3A_8, %get3A_9] : memref<208x416xf32, #tpu.memory_space<vmem>>, vector<208x416xf32>
    %get3A_11 = arith.constant 0 : index
    %get3A_12 = arith.constant 0 : index
    %get3A_13 = vector.load %arg5[%get3A_11, %get3A_12] : memref<1x1xf32, #tpu.memory_space<vmem>>, vector<1x1xf32>
    %get3A_14 = vector.extract %get3A_13[0, 0] : f32 from vector<1x1xf32>
    %get3A_15 = arith.constant 0 : index
    %get3A_16 = arith.constant 0 : index
    %get3A_17 = vector.load %arg6[%get3A_15, %get3A_16] : memref<416x16xf32, #tpu.memory_space<vmem>>, vector<416x16xf32>
    %get3A_18 = arith.constant 0 : index
    %get3A_19 = arith.constant 0 : index
    %get3A_20 = vector.load %arg7[%get3A_18, %get3A_19] : memref<1x16xf32, #tpu.memory_space<vmem>>, vector<1x16xf32>
    %get3A_21 = arith.constant 0 : index
    %get3A_22 = arith.constant 0 : index
    %get3A_23 = vector.load %arg8[%get3A_21, %get3A_22] : memref<1x1xf32, #tpu.memory_space<vmem>>, vector<1x1xf32>
    %get3A_24 = vector.extract %get3A_23[0, 0] : f32 from vector<1x1xf32>
    %slice3A = vector.extract_strided_slice %get3A_1 {offsets = [0, 0], sizes = [512, 400], strides = [1, 1]} : vector<512x416xf32> to vector<512x400xf32>
    %slice3A_25 = vector.extract_strided_slice %get3A_1 {offsets = [0, 16], sizes = [512, 400], strides = [1, 1]} : vector<512x416xf32> to vector<512x400xf32>
    %mul3A = arith.mulf %slice3A, %slice3A_25 : vector<512x400xf32>
    %slice3A_26 = vector.extract_strided_slice %get3A_1 {offsets = [0, 0], sizes = [512, 16], strides = [1, 1]} : vector<512x416xf32> to vector<512x16xf32>
    %slice3A_27 = vector.extract_strided_slice %get3A_1 {offsets = [0, 400], sizes = [512, 16], strides = [1, 1]} : vector<512x416xf32> to vector<512x16xf32>
    %mul3A_28 = arith.mulf %slice3A_26, %slice3A_27 : vector<512x16xf32>
    %concatenate3A = tpu.concatenate %mul3A, %mul3A_28 in 1 : vector<512x400xf32>, vector<512x16xf32> -> vector<512x416xf32>
    %slice3A_29 = vector.extract_strided_slice %get3A_1 {offsets = [0, 0], sizes = [512, 384], strides = [1, 1]} : vector<512x416xf32> to vector<512x384xf32>
    %slice3A_30 = vector.extract_strided_slice %get3A_1 {offsets = [0, 32], sizes = [512, 384], strides = [1, 1]} : vector<512x416xf32> to vector<512x384xf32>
    %mul3A_31 = arith.mulf %slice3A_29, %slice3A_30 : vector<512x384xf32>
    %slice3A_32 = vector.extract_strided_slice %get3A_1 {offsets = [0, 0], sizes = [512, 32], strides = [1, 1]} : vector<512x416xf32> to vector<512x32xf32>
    %slice3A_33 = vector.extract_strided_slice %get3A_1 {offsets = [0, 384], sizes = [512, 32], strides = [1, 1]} : vector<512x416xf32> to vector<512x32xf32>
    %mul3A_34 = arith.mulf %slice3A_32, %slice3A_33 : vector<512x32xf32>
    %concatenate3A_35 = tpu.concatenate %mul3A_31, %mul3A_34 in 1 : vector<512x384xf32>, vector<512x32xf32> -> vector<512x416xf32>
    %slice3A_36 = vector.extract_strided_slice %get3A_1 {offsets = [0, 0], sizes = [512, 368], strides = [1, 1]} : vector<512x416xf32> to vector<512x368xf32>
    %slice3A_37 = vector.extract_strided_slice %get3A_1 {offsets = [0, 48], sizes = [512, 368], strides = [1, 1]} : vector<512x416xf32> to vector<512x368xf32>
    %mul3A_38 = arith.mulf %slice3A_36, %slice3A_37 : vector<512x368xf32>
    %slice3A_39 = vector.extract_strided_slice %get3A_1 {offsets = [0, 0], sizes = [512, 48], strides = [1, 1]} : vector<512x416xf32> to vector<512x48xf32>
    %slice3A_40 = vector.extract_strided_slice %get3A_1 {offsets = [0, 368], sizes = [512, 48], strides = [1, 1]} : vector<512x416xf32> to vector<512x48xf32>
    %mul3A_41 = arith.mulf %slice3A_39, %slice3A_40 : vector<512x48xf32>
    %concatenate3A_42 = tpu.concatenate %mul3A_38, %mul3A_41 in 1 : vector<512x368xf32>, vector<512x48xf32> -> vector<512x416xf32>
    %slice3A_43 = vector.extract_strided_slice %get3A_1 {offsets = [0, 0], sizes = [512, 352], strides = [1, 1]} : vector<512x416xf32> to vector<512x352xf32>
    %slice3A_44 = vector.extract_strided_slice %get3A_1 {offsets = [0, 64], sizes = [512, 352], strides = [1, 1]} : vector<512x416xf32> to vector<512x352xf32>
    %mul3A_45 = arith.mulf %slice3A_43, %slice3A_44 : vector<512x352xf32>
    %slice3A_46 = vector.extract_strided_slice %get3A_1 {offsets = [0, 0], sizes = [512, 64], strides = [1, 1]} : vector<512x416xf32> to vector<512x64xf32>
    %slice3A_47 = vector.extract_strided_slice %get3A_1 {offsets = [0, 352], sizes = [512, 64], strides = [1, 1]} : vector<512x416xf32> to vector<512x64xf32>
    %mul3A_48 = arith.mulf %slice3A_46, %slice3A_47 : vector<512x64xf32>
    %concatenate3A_49 = tpu.concatenate %mul3A_45, %mul3A_48 in 1 : vector<512x352xf32>, vector<512x64xf32> -> vector<512x416xf32>
    %slice3A_50 = vector.extract_strided_slice %get3A_1 {offsets = [0, 0], sizes = [512, 336], strides = [1, 1]} : vector<512x416xf32> to vector<512x336xf32>
    %slice3A_51 = vector.extract_strided_slice %get3A_1 {offsets = [0, 80], sizes = [512, 336], strides = [1, 1]} : vector<512x416xf32> to vector<512x336xf32>
    %mul3A_52 = arith.mulf %slice3A_50, %slice3A_51 : vector<512x336xf32>
    %slice3A_53 = vector.extract_strided_slice %get3A_1 {offsets = [0, 0], sizes = [512, 80], strides = [1, 1]} : vector<512x416xf32> to vector<512x80xf32>
    %slice3A_54 = vector.extract_strided_slice %get3A_1 {offsets = [0, 336], sizes = [512, 80], strides = [1, 1]} : vector<512x416xf32> to vector<512x80xf32>
    %mul3A_55 = arith.mulf %slice3A_53, %slice3A_54 : vector<512x80xf32>
    %concatenate3A_56 = tpu.concatenate %mul3A_52, %mul3A_55 in 1 : vector<512x336xf32>, vector<512x80xf32> -> vector<512x416xf32>
    %slice3A_57 = vector.extract_strided_slice %get3A_1 {offsets = [0, 0], sizes = [512, 320], strides = [1, 1]} : vector<512x416xf32> to vector<512x320xf32>
    %slice3A_58 = vector.extract_strided_slice %get3A_1 {offsets = [0, 96], sizes = [512, 320], strides = [1, 1]} : vector<512x416xf32> to vector<512x320xf32>
    %mul3A_59 = arith.mulf %slice3A_57, %slice3A_58 : vector<512x320xf32>
    %slice3A_60 = vector.extract_strided_slice %get3A_1 {offsets = [0, 0], sizes = [512, 96], strides = [1, 1]} : vector<512x416xf32> to vector<512x96xf32>
    %slice3A_61 = vector.extract_strided_slice %get3A_1 {offsets = [0, 320], sizes = [512, 96], strides = [1, 1]} : vector<512x416xf32> to vector<512x96xf32>
    %mul3A_62 = arith.mulf %slice3A_60, %slice3A_61 : vector<512x96xf32>
    %concatenate3A_63 = tpu.concatenate %mul3A_59, %mul3A_62 in 1 : vector<512x320xf32>, vector<512x96xf32> -> vector<512x416xf32>
    %slice3A_64 = vector.extract_strided_slice %get3A_1 {offsets = [0, 0], sizes = [512, 304], strides = [1, 1]} : vector<512x416xf32> to vector<512x304xf32>
    %slice3A_65 = vector.extract_strided_slice %get3A_1 {offsets = [0, 112], sizes = [512, 304], strides = [1, 1]} : vector<512x416xf32> to vector<512x304xf32>
    %mul3A_66 = arith.mulf %slice3A_64, %slice3A_65 : vector<512x304xf32>
    %slice3A_67 = vector.extract_strided_slice %get3A_1 {offsets = [0, 0], sizes = [512, 112], strides = [1, 1]} : vector<512x416xf32> to vector<512x112xf32>
    %slice3A_68 = vector.extract_strided_slice %get3A_1 {offsets = [0, 304], sizes = [512, 112], strides = [1, 1]} : vector<512x416xf32> to vector<512x112xf32>
    %mul3A_69 = arith.mulf %slice3A_67, %slice3A_68 : vector<512x112xf32>
    %concatenate3A_70 = tpu.concatenate %mul3A_66, %mul3A_69 in 1 : vector<512x304xf32>, vector<512x112xf32> -> vector<512x416xf32>
    %slice3A_71 = vector.extract_strided_slice %get3A_1 {offsets = [0, 0], sizes = [512, 288], strides = [1, 1]} : vector<512x416xf32> to vector<512x288xf32>
    %slice3A_72 = vector.extract_strided_slice %get3A_1 {offsets = [0, 128], sizes = [512, 288], strides = [1, 1]} : vector<512x416xf32> to vector<512x288xf32>
    %mul3A_73 = arith.mulf %slice3A_71, %slice3A_72 : vector<512x288xf32>
    %slice3A_74 = vector.extract_strided_slice %get3A_1 {offsets = [0, 0], sizes = [512, 128], strides = [1, 1]} : vector<512x416xf32> to vector<512x128xf32>
    %slice3A_75 = vector.extract_strided_slice %get3A_1 {offsets = [0, 288], sizes = [512, 128], strides = [1, 1]} : vector<512x416xf32> to vector<512x128xf32>
    %mul3A_76 = arith.mulf %slice3A_74, %slice3A_75 : vector<512x128xf32>
    %concatenate3A_77 = tpu.concatenate %mul3A_73, %mul3A_76 in 1 : vector<512x288xf32>, vector<512x128xf32> -> vector<512x416xf32>
    %slice3A_78 = vector.extract_strided_slice %get3A_1 {offsets = [0, 0], sizes = [512, 272], strides = [1, 1]} : vector<512x416xf32> to vector<512x272xf32>
    %slice3A_79 = vector.extract_strided_slice %get3A_1 {offsets = [0, 144], sizes = [512, 272], strides = [1, 1]} : vector<512x416xf32> to vector<512x272xf32>
    %mul3A_80 = arith.mulf %slice3A_78, %slice3A_79 : vector<512x272xf32>
    %slice3A_81 = vector.extract_strided_slice %get3A_1 {offsets = [0, 0], sizes = [512, 144], strides = [1, 1]} : vector<512x416xf32> to vector<512x144xf32>
    %slice3A_82 = vector.extract_strided_slice %get3A_1 {offsets = [0, 272], sizes = [512, 144], strides = [1, 1]} : vector<512x416xf32> to vector<512x144xf32>
    %mul3A_83 = arith.mulf %slice3A_81, %slice3A_82 : vector<512x144xf32>
    %concatenate3A_84 = tpu.concatenate %mul3A_80, %mul3A_83 in 1 : vector<512x272xf32>, vector<512x144xf32> -> vector<512x416xf32>
    %slice3A_85 = vector.extract_strided_slice %get3A_1 {offsets = [0, 0], sizes = [512, 256], strides = [1, 1]} : vector<512x416xf32> to vector<512x256xf32>
    %slice3A_86 = vector.extract_strided_slice %get3A_1 {offsets = [0, 160], sizes = [512, 256], strides = [1, 1]} : vector<512x416xf32> to vector<512x256xf32>
    %mul3A_87 = arith.mulf %slice3A_85, %slice3A_86 : vector<512x256xf32>
    %slice3A_88 = vector.extract_strided_slice %get3A_1 {offsets = [0, 0], sizes = [512, 160], strides = [1, 1]} : vector<512x416xf32> to vector<512x160xf32>
    %slice3A_89 = vector.extract_strided_slice %get3A_1 {offsets = [0, 256], sizes = [512, 160], strides = [1, 1]} : vector<512x416xf32> to vector<512x160xf32>
    %mul3A_90 = arith.mulf %slice3A_88, %slice3A_89 : vector<512x160xf32>
    %concatenate3A_91 = tpu.concatenate %mul3A_87, %mul3A_90 in 1 : vector<512x256xf32>, vector<512x160xf32> -> vector<512x416xf32>
    %slice3A_92 = vector.extract_strided_slice %get3A_1 {offsets = [0, 0], sizes = [512, 240], strides = [1, 1]} : vector<512x416xf32> to vector<512x240xf32>
    %slice3A_93 = vector.extract_strided_slice %get3A_1 {offsets = [0, 176], sizes = [512, 240], strides = [1, 1]} : vector<512x416xf32> to vector<512x240xf32>
    %mul3A_94 = arith.mulf %slice3A_92, %slice3A_93 : vector<512x240xf32>
    %slice3A_95 = vector.extract_strided_slice %get3A_1 {offsets = [0, 0], sizes = [512, 176], strides = [1, 1]} : vector<512x416xf32> to vector<512x176xf32>
    %slice3A_96 = vector.extract_strided_slice %get3A_1 {offsets = [0, 240], sizes = [512, 176], strides = [1, 1]} : vector<512x416xf32> to vector<512x176xf32>
    %mul3A_97 = arith.mulf %slice3A_95, %slice3A_96 : vector<512x176xf32>
    %concatenate3A_98 = tpu.concatenate %mul3A_94, %mul3A_97 in 1 : vector<512x240xf32>, vector<512x176xf32> -> vector<512x416xf32>
    %slice3A_99 = vector.extract_strided_slice %get3A_1 {offsets = [0, 0], sizes = [512, 224], strides = [1, 1]} : vector<512x416xf32> to vector<512x224xf32>
    %slice3A_100 = vector.extract_strided_slice %get3A_1 {offsets = [0, 192], sizes = [512, 224], strides = [1, 1]} : vector<512x416xf32> to vector<512x224xf32>
    %mul3A_101 = arith.mulf %slice3A_99, %slice3A_100 : vector<512x224xf32>
    %slice3A_102 = vector.extract_strided_slice %get3A_1 {offsets = [0, 0], sizes = [512, 192], strides = [1, 1]} : vector<512x416xf32> to vector<512x192xf32>
    %slice3A_103 = vector.extract_strided_slice %get3A_1 {offsets = [0, 224], sizes = [512, 192], strides = [1, 1]} : vector<512x416xf32> to vector<512x192xf32>
    %mul3A_104 = arith.mulf %slice3A_102, %slice3A_103 : vector<512x192xf32>
    %concatenate3A_105 = tpu.concatenate %mul3A_101, %mul3A_104 in 1 : vector<512x224xf32>, vector<512x192xf32> -> vector<512x416xf32>
    %slice3A_106 = vector.extract_strided_slice %get3A_1 {offsets = [0, 0], sizes = [512, 208], strides = [1, 1]} : vector<512x416xf32> to vector<512x208xf32>
    %slice3A_107 = vector.extract_strided_slice %get3A_1 {offsets = [0, 208], sizes = [512, 208], strides = [1, 1]} : vector<512x416xf32> to vector<512x208xf32>
    %mul3A_108 = arith.mulf %slice3A_106, %slice3A_107 : vector<512x208xf32>
    %jit3A = arith.constant 0 : i32
    %convert_element_type3A = arith.sitofp %jit3A : i32 to f32
    %pad3A = vector.broadcast %convert_element_type3A : f32 to vector<512x208xf32>
    %pad3A_109 = tpu.concatenate %mul3A_108, %pad3A in 1 : vector<512x208xf32>, vector<512x208xf32> -> vector<512x416xf32>
    %stack3A = vector.shape_cast %concatenate3A : vector<512x416xf32> to vector<1x512x416xf32>
    %stack3A_110 = vector.shape_cast %concatenate3A_35 : vector<512x416xf32> to vector<1x512x416xf32>
    %stack3A_111 = vector.shape_cast %concatenate3A_42 : vector<512x416xf32> to vector<1x512x416xf32>
    %stack3A_112 = vector.shape_cast %concatenate3A_49 : vector<512x416xf32> to vector<1x512x416xf32>
    %stack3A_113 = vector.shape_cast %concatenate3A_56 : vector<512x416xf32> to vector<1x512x416xf32>
    %stack3A_114 = vector.shape_cast %concatenate3A_63 : vector<512x416xf32> to vector<1x512x416xf32>
    %stack3A_115 = vector.shape_cast %concatenate3A_70 : vector<512x416xf32> to vector<1x512x416xf32>
    %stack3A_116 = vector.shape_cast %concatenate3A_77 : vector<512x416xf32> to vector<1x512x416xf32>
    %stack3A_117 = vector.shape_cast %concatenate3A_84 : vector<512x416xf32> to vector<1x512x416xf32>
    %stack3A_118 = vector.shape_cast %concatenate3A_91 : vector<512x416xf32> to vector<1x512x416xf32>
    %stack3A_119 = vector.shape_cast %concatenate3A_98 : vector<512x416xf32> to vector<1x512x416xf32>
    %stack3A_120 = vector.shape_cast %concatenate3A_105 : vector<512x416xf32> to vector<1x512x416xf32>
    %stack3A_121 = vector.shape_cast %pad3A_109 : vector<512x416xf32> to vector<1x512x416xf32>
    %stack3A_122 = tpu.concatenate %stack3A, %stack3A_110, %stack3A_111, %stack3A_112, %stack3A_113, %stack3A_114, %stack3A_115, %stack3A_116, %stack3A_117, %stack3A_118, %stack3A_119, %stack3A_120, %stack3A_121 in 0 : vector<1x512x416xf32>, vector<1x512x416xf32>, vector<1x512x416xf32>, vector<1x512x416xf32>, vector<1x512x416xf32>, vector<1x512x416xf32>, vector<1x512x416xf32>, vector<1x512x416xf32>, vector<1x512x416xf32>, vector<1x512x416xf32>, vector<1x512x416xf32>, vector<1x512x416xf32>, vector<1x512x416xf32> -> vector<13x512x416xf32>
    %reshape3A = vector.shape_cast %stack3A_122 : vector<13x512x416xf32> to vector<6656x416xf32>
    %dot_general3A = arith.constant dense<0.000000e+00> : vector<6656x208xf32>
    %dot_general3A_123 = tpu.matmul %reshape3A, %get3A_4, %dot_general3A {dimension_numbers = #tpu.dot_dimension_numbers<[1], [0], [0], [1], [0, 0, 1, 1], [], []>, transpose_lhs_hint = false} : vector<6656x416xf32>, vector<416x208xf32>, vector<6656x208xf32> -> vector<6656x208xf32>
    %add3A = vector.broadcast %get3A_7 : vector<1x208xf32> to vector<6656x208xf32>
    %add3A_124 = arith.addf %dot_general3A_123, %add3A : vector<6656x208xf32>
    %max3A = arith.constant 0.000000e+00 : f32
    %max3A_125 = vector.broadcast %max3A : f32 to vector<6656x208xf32>
    %max3A_126 = arith.maximumf %add3A_124, %max3A_125 : vector<6656x208xf32>
    %dot_general3A_127 = arith.constant dense<0.000000e+00> : vector<6656x416xf32>
    %dot_general3A_128 = tpu.matmul %max3A_126, %get3A_10, %dot_general3A_127 {dimension_numbers = #tpu.dot_dimension_numbers<[1], [0], [0], [1], [0, 0, 1, 1], [], []>, transpose_lhs_hint = false} : vector<6656x208xf32>, vector<208x416xf32>, vector<6656x416xf32> -> vector<6656x416xf32>
    %add3A_129 = vector.broadcast %get3A_14 : f32 to vector<6656x416xf32>
    %add3A_130 = arith.addf %dot_general3A_128, %add3A_129 : vector<6656x416xf32>
    %reshape3A_131 = vector.shape_cast %add3A_130 : vector<6656x416xf32> to vector<13x512x416xf32>
    %iota3A = tpu.iota {dimensions = array<i32: 2>} : vector<1x1x416xi32>
    %iota3A_132 = tpu.iota {dimensions = array<i32: 0>} : vector<13x1x1xi32>
    %lt3A = arith.constant 12 : i32
    %lt3A_133 = vector.broadcast %lt3A : i32 to vector<13x1x1xi32>
    %lt3A_134 = arith.cmpi slt, %iota3A_132, %lt3A_133 : vector<13x1x1xi32>
    %lt3A_135 = arith.constant 208 : i32
    %lt3A_136 = vector.broadcast %lt3A_135 : i32 to vector<1x1x416xi32>
    %lt3A_137 = arith.cmpi slt, %iota3A, %lt3A_136 : vector<1x1x416xi32>
    %or3A = vector.broadcast %lt3A_134 : vector<13x1x1xi1> to vector<13x1x416xi1>
    %or3A_138 = vector.broadcast %lt3A_137 : vector<1x1x416xi1> to vector<13x1x416xi1>
    %or3A_139 = arith.ori %or3A, %or3A_138 : vector<13x1x416xi1>
    %jit3A_140 = arith.constant -1.000000e+30 : f32
    %broadcast_in_dim3A = vector.shape_cast %or3A_139 : vector<13x1x416xi1> to vector<13x1x416xi1>
    %broadcast_in_dim3A_141 = vector.broadcast %broadcast_in_dim3A : vector<13x1x416xi1> to vector<13x512x416xi1>
    %broadcast_in_dim3A_142 = vector.broadcast %jit3A_140 : f32 to vector<13x512x416xf32>
    %select_n3A = arith.select %broadcast_in_dim3A_141, %reshape3A_131, %broadcast_in_dim3A_142 : vector<13x512x416xi1>, vector<13x512x416xf32>
    %reduce_max3A = arith.constant dense<0xFF800000> : vector<512x416xf32>
    %reduce_max3A_143 = vector.multi_reduction <maximumf>, %select_n3A, %reduce_max3A [0] : vector<13x512x416xf32> to vector<512x416xf32>
    %reduce_max3A_144 = arith.constant dense<0xFF800000> : vector<512xf32>
    %reduce_max3A_145 = vector.multi_reduction <maximumf>, %reduce_max3A_143, %reduce_max3A_144 [1] : vector<512x416xf32> to vector<512xf32>
    %broadcast_in_dim3A_146 = vector.shape_cast %reduce_max3A_145 : vector<512xf32> to vector<512x1xf32>
    %broadcast_in_dim3A_147 = vector.shape_cast %broadcast_in_dim3A_146 : vector<512x1xf32> to vector<1x512x1xf32>
    %sub3A = vector.broadcast %broadcast_in_dim3A_147 : vector<1x512x1xf32> to vector<13x512x416xf32>
    %sub3A_148 = arith.subf %select_n3A, %sub3A : vector<13x512x416xf32>
    %exp3A = math.exp %sub3A_148 : vector<13x512x416xf32>
    %reduce_sum3A = arith.constant dense<0.000000e+00> : vector<512x416xf32>
    %reduce_sum3A_149 = vector.multi_reduction <add>, %exp3A, %reduce_sum3A [0] : vector<13x512x416xf32> to vector<512x416xf32>
    %reduce_sum3A_150 = arith.constant dense<0.000000e+00> : vector<512xf32>
    %reduce_sum3A_151 = vector.multi_reduction <add>, %reduce_sum3A_149, %reduce_sum3A_150 [1] : vector<512x416xf32> to vector<512xf32>
    %broadcast_in_dim3A_152 = vector.shape_cast %reduce_sum3A_151 : vector<512xf32> to vector<512x1xf32>
    %mul3A_153 = arith.constant 6.250000e-02 : f32
    %mul3A_154 = vector.broadcast %mul3A_153 : f32 to vector<512x1xf32>
    %mul3A_155 = arith.mulf %broadcast_in_dim3A_152, %mul3A_154 : vector<512x1xf32>
    %broadcast_in_dim3A_156 = vector.shape_cast %mul3A_155 : vector<512x1xf32> to vector<1x512x1xf32>
    %div3A = vector.broadcast %broadcast_in_dim3A_156 : vector<1x512x1xf32> to vector<13x512x416xf32>
    %div3A_157 = arith.divf %exp3A, %div3A : vector<13x512x416xf32>
    %mul3A_158 = arith.mulf %stack3A_122, %div3A_157 : vector<13x512x416xf32>
    %reshape3A_159 = vector.shape_cast %mul3A_158 : vector<13x512x416xf32> to vector<6656x416xf32>
    %dot_general3A_160 = arith.constant dense<0.000000e+00> : vector<6656x16xf32>
    %dot_general3A_161 = tpu.matmul %reshape3A_159, %get3A_17, %dot_general3A_160 {dimension_numbers = #tpu.dot_dimension_numbers<[1], [0], [0], [1], [0, 0, 1, 1], [], []>, transpose_lhs_hint = false} : vector<6656x416xf32>, vector<416x16xf32>, vector<6656x16xf32> -> vector<6656x16xf32>
    %reshape3A_162 = vector.shape_cast %dot_general3A_161 : vector<6656x16xf32> to vector<13x512x16xf32>
    %reduce_sum3A_163 = arith.constant dense<0.000000e+00> : vector<512x16xf32>
    %reduce_sum3A_164 = vector.multi_reduction <add>, %reshape3A_162, %reduce_sum3A_163 [0] : vector<13x512x16xf32> to vector<512x16xf32>
    %mul3A_165 = vector.broadcast %get3A_20 : vector<1x16xf32> to vector<512x16xf32>
    %mul3A_166 = arith.mulf %reduce_sum3A_164, %mul3A_165 : vector<512x16xf32>
    %reduce_sum3A_167 = arith.constant dense<0.000000e+00> : vector<512xf32>
    %reduce_sum3A_168 = vector.multi_reduction <add>, %mul3A_166, %reduce_sum3A_167 [1] : vector<512x16xf32> to vector<512xf32>
    %broadcast_in_dim3A_169 = vector.shape_cast %reduce_sum3A_168 : vector<512xf32> to vector<512x1xf32>
    %add3A_170 = vector.broadcast %get3A_24 : f32 to vector<512x1xf32>
    %add3A_171 = arith.addf %broadcast_in_dim3A_169, %add3A_170 : vector<512x1xf32>
    %logistic3A = arith.negf %add3A_171 : vector<512x1xf32>
    %logistic3A_172 = math.exp %logistic3A : vector<512x1xf32>
    %logistic3A_173 = arith.constant 1.000000e+00 : f32
    %logistic3A_174 = vector.broadcast %logistic3A_173 : f32 to vector<512x1xf32>
    %logistic3A_175 = arith.addf %logistic3A_174, %logistic3A_172 : vector<512x1xf32>
    %logistic3A_176 = arith.divf %logistic3A_174, %logistic3A_175 : vector<512x1xf32>
    %swap3A = arith.constant 0 : index
    %swap3A_177 = arith.constant 0 : index
    %swap3A_178 = vector.load %arg9[%swap3A, %swap3A_177] : memref<512x1xf32, #tpu.memory_space<vmem>>, vector<512x1xf32>
    tpu.vector_store %arg9[%swap3A, %swap3A_177], %logistic3A_176 {strides = array<i32>} : memref<512x1xf32, #tpu.memory_space<vmem>>, vector<512x1xf32>,
    return
  }
  func.func @transform_0(%arg0: i32) -> (i32, i32) {
    %c0_i32 = arith.constant 0 : i32
    %c0_i32_0 = arith.constant 0 : i32
    return %arg0, %c0_i32 : i32, i32
  }
  func.func @transform_1(%arg0: i32) -> (i32, i32) {
    %c0_i32 = arith.constant 0 : i32
    %c0_i32_0 = arith.constant 0 : i32
    %c0_i32_1 = arith.constant 0 : i32
    return %c0_i32, %c0_i32_0 : i32, i32
  }
  func.func @transform_2(%arg0: i32) -> (i32, i32) {
    %c0_i32 = arith.constant 0 : i32
    %c0_i32_0 = arith.constant 0 : i32
    %c0_i32_1 = arith.constant 0 : i32
    return %c0_i32, %c0_i32_0 : i32, i32
  }
  func.func @transform_3(%arg0: i32) -> (i32, i32) {
    %c0_i32 = arith.constant 0 : i32
    %c0_i32_0 = arith.constant 0 : i32
    %c0_i32_1 = arith.constant 0 : i32
    return %c0_i32, %c0_i32_0 : i32, i32
  }
  func.func @transform_4(%arg0: i32) -> (i32, i32) {
    %c0_i32 = arith.constant 0 : i32
    %c0_i32_0 = arith.constant 0 : i32
    %c0_i32_1 = arith.constant 0 : i32
    return %c0_i32, %c0_i32_0 : i32, i32
  }
  func.func @transform_5(%arg0: i32) -> (i32, i32) {
    %c0_i32 = arith.constant 0 : i32
    %c0_i32_0 = arith.constant 0 : i32
    %c0_i32_1 = arith.constant 0 : i32
    return %c0_i32, %c0_i32_0 : i32, i32
  }
  func.func @transform_6(%arg0: i32) -> (i32, i32) {
    %c0_i32 = arith.constant 0 : i32
    %c0_i32_0 = arith.constant 0 : i32
    %c0_i32_1 = arith.constant 0 : i32
    return %c0_i32, %c0_i32_0 : i32, i32
  }
  func.func @transform_7(%arg0: i32) -> (i32, i32) {
    %c0_i32 = arith.constant 0 : i32
    %c0_i32_0 = arith.constant 0 : i32
    %c0_i32_1 = arith.constant 0 : i32
    return %c0_i32, %c0_i32_0 : i32, i32
  }
  func.func @transform_8(%arg0: i32) -> (i32, i32) {
    %c0_i32 = arith.constant 0 : i32
    %c0_i32_0 = arith.constant 0 : i32
    return %arg0, %c0_i32 : i32, i32
  }
}

</mosaic_0001>

<sc_bundles>
// kernel: kernel.6.cloned.1.call-start
scs
__scs_entry_jumppad:
0x0: {  	(pc) =	sbr.rel $0x88, $3  }
0x1: {  	(tag) =	ssettag $0x0;
	lr =	simm.s32 $0x1  }
0x2: {  	[smem:$0x3F99] =	sst lr;
	_ =	strace $0xD0000000  }
0x3: {  	_ = 	snop  }
0x4: {  	_ = 	snop  }
0x5: {  	_ = 	snop  }
0x6: {  	_ = 	snop  }
0x7: {  	_ = 	snop  }
__scs_overlays_trampoline_lowered:
0x8: {  	[smem:$0x3FA8] =	sst s0  }
0x9: {  	[smem:$0x3FA9] =	sst s1  }
0xa: {  	[smem:$0x3FAA] =	sst s2  }
0xb: {  	[smem:$0x3FAB] =	sst s3  }
0xc: {  	[smem:$0x3FAC] =	sst s4  }
0xd: {  	[smem:$0x3FAD] =	sst s5  }
0xe: {  	[smem:$0x3FAE] =	sst s6  }
0xf: {  	[smem:$0x3FAF] =	sst s7  }
0x10: {  	[smem:$0x3FB0] =	sst s8  }
0x11: {  	[smem:$0x3FB1] =	sst s9;
	s0 =	simm.s32 @!p0 $0x0  }
0x12: {  	s1 =	sld [smem:$0x3F97];
	s0 =	simm.s32 @p0 $0x1  }
0x13: {  	[smem:$0x3FB2] =	sst s0;
	s0 =	simm.s32 @!p1 $0x0  }
0x14: {  	s2 =	sld [smem:$0x3F96];
	s0 =	simm.s32 @p1 $0x1  }
0x15: {  	[smem:$0x3FB3] =	sst s0;
	s0 =	simm.s32 @!p2 $0x0  }
0x16: {  	s3 =	sld [smem:$0x3FDB];
	s0 =	simm.s32 @p2 $0x1  }
0x17: {  	s4 =	simm.s32 $0x1BF5;
	[smem:$0x3FB5] =	sst s0  }
0x18: {  	s0 =	sld [smem:$0x3F98];
	_ =	swait.ge [sflag:s4], $0x0  }
0x19: {  	s7 =	sld [smem:$0x3F99]  }
0x1a: {  	s8 =	sadd.s32 $0xFFFFE003, lr  }
0x1b: {  	s9 =	sadd.s32 $0xFFFFFEF7, lr;
	s5 =	simm.s32 $0xFFFFFFFF;
	p2 =	slt.u32 s8, $0xFFFFF086  }
0x1c: {  	p1 =	slt.u32 s9, $0xF7A;
	s5 =	simm.s32 @!p2 $0x0  }
0x1d: {  	s5 =	simm.s32 @p1 $0x1;
	p0 =	seq.s32 s7, s2  }
0x1e: {  	s7 =	smul.u32 @!p0 $0xF7A, s2;
	p2 =	seq.s32 @!p0 s5, $0x0  }
0x1f: {  	s9 =	smul.u32 $0xF7A, s1;
	s8 =	simm.s32 @!p0 $0x1BF5;
	p2 =	por !p2, p0  }
0x20: {  	[sflag:s8] =	ssyncset.s32 @!p0 $0xFFFFF086;
	s6 =	sadd.s32 @!p0 s3, s7;
	s7 =	simm.s32 @!p0 $0x108  }
0x21: {  	s3 =	sadd.s32 s3, s9;
	s6 =	sadd.s32 @!p0 $0x88, s6;
	s7 =	simm.s32 @p2 $0x1082  }
0x22: {  	[simem:s7], [sflag:s8] =	dma.local @!p0 [hbm:s6], $0xF7A  }
0x23: {  	s9 =	sor.u32 $0xD0000000, s2;
	s6 =	simm.s32 $0x108;
	_ =	swait.ge @!p0 [sflag:s8], $0x0  }
0x24: {  	s3 =	sadd.s32 $0x88, s3;
	s6 =	simm.s32 @!p1 $0x1082;
	[sflag:s4] =	ssyncset.s32 $0xFFFFF086  }
0x25: {  	[simem:s6], [sflag:s4] =	dma.local [hbm:s3], $0xF7A  }
0x26: {  	[smem:$0x3F99] =	sst s1;
	(tag) =	ssettag s2;
	_ =	strace s9  }
0x27: {  	s1 =	sld [smem:$0x3FA9]  }
0x28: {  	s2 =	sld [smem:$0x3FAA]  }
0x29: {  	s4 =	sld [smem:$0x3FAC]  }
0x2a: {  	p0 =	seq.s32 s5, $0x0;
	s5 =	sld [smem:$0x3FAD]  }
0x2b: {  	s6 =	sld [smem:$0x3FAE]  }
0x2c: {  	s7 =	sld [smem:$0x3FAF]  }
0x2d: {  	s3 =	simm.s32 $0x108;
	s8 =	sld [smem:$0x3FB0]  }
0x2e: {  	s3 =	simm.s32 @!p0 $0x1082;
	s9 =	sld [smem:$0x3FB1]  }
0x2f: {  	lr =	sadd.s32 s0, s3;
	s0 =	sld [smem:$0x3FA8]  }
0x30: {  	s3 =	sld [smem:$0x3FAB]  }
0x31: {  	[smem:$0x3FB4] =	sst s10  }
0x32: {  	s10 =	sld [smem:$0x3FB2];
	_ =	sdelay $0x3  }
0x33: {  	p0 =	seq.s32 s10, $0x1;
	s10 =	sld [smem:$0x3FB4];
	_ =	sdelay $0x3  }
0x34: {  	[smem:$0x3FB4] =	sst s10  }
0x35: {  	s10 =	sld [smem:$0x3FB3];
	_ =	sdelay $0x3  }
0x36: {  	p1 =	seq.s32 s10, $0x1;
	s10 =	sld [smem:$0x3FB4];
	_ =	sdelay $0x3  }
0x37: {  	[smem:$0x3FB4] =	sst s10  }
0x38: {  	s10 =	sld [smem:$0x3FB5]  }
0x39: {  	_ = 	snop;
	(pc) =	sbr.ind lr, $3  }
0x3a: {  	_ = 	snop  }
0x3b: {  	_ = 	snop  }
0x3c: {  	p2 =	seq.s32 s10, $0x1;
	s10 =	sld [smem:$0x3FB4]  }
0x3d: {  	_ =	shalt  }
0x3e: {  	_ =	shalt  }
0x3f: {  	_ =	shalt  }
0x40: {  	_ =	shalt  }
0x41: {  	_ =	shalt  }
0x42: {  	_ =	shalt  }
0x43: {  	_ =	shalt  }
0x44: {  	_ =	shalt  }
0x45: {  	_ =	shalt  }
0x46: {  	_ =	shalt  }
0x47: {  	_ =	shalt  }
0x48: {  	_ =	shalt  }
0x49: {  	_ =	shalt  }
0x4a: {  	_ =	shalt  }
0x4b: {  	_ =	shalt  }
0x4c: {  	_ =	shalt  }
0x4d: {  	_ =	shalt  }
0x4e: {  	_ =	shalt  }
0x4f: {  	_ =	shalt  }
0x50: {  	_ =	shalt  }
0x51: {  	_ =	shalt  }
0x52: {  	_ =	shalt  }
0x53: {  	_ =	shalt  }
0x54: {  	_ =	shalt  }
0x55: {  	_ =	shalt  }
0x56: {  	_ =	shalt  }
0x57: {  	_ =	shalt  }
0x58: {  	_ =	shalt  }
0x59: {  	_ =	shalt  }
0x5a: {  	_ =	shalt  }
0x5b: {  	_ =	shalt  }
0x5c: {  	_ =	shalt  }
0x5d: {  	_ =	shalt  }
0x5e: {  	_ =	shalt  }
0x5f: {  	_ =	shalt  }
0x60: {  	_ =	shalt  }
0x61: {  	_ =	shalt  }
0x62: {  	_ =	shalt  }
0x63: {  	_ =	shalt  }
0x64: {  	_ =	shalt  }
0x65: {  	_ =	shalt  }
0x66: {  	_ =	shalt  }
0x67: {  	_ =	shalt  }
0x68: {  	_ =	shalt  }
0x69: {  	_ =	shalt  }
0x6a: {  	_ =	shalt  }
0x6b: {  	_ =	shalt  }
0x6c: {  	_ =	shalt  }
0x6d: {  	_ =	shalt  }
0x6e: {  	_ =	shalt  }
0x6f: {  	_ =	shalt  }
0x70: {  	_ =	shalt  }
0x71: {  	_ =	shalt  }
0x72: {  	_ =	shalt  }
0x73: {  	_ =	shalt  }
0x74: {  	_ =	shalt  }
0x75: {  	_ =	shalt  }
0x76: {  	_ =	shalt  }
0x77: {  	_ =	shalt  }
0x78: {  	_ =	shalt  }
0x79: {  	_ =	shalt  }
0x7a: {  	_ =	shalt  }
0x7b: {  	_ =	shalt  }
0x7c: {  	_ =	shalt  }
0x7d: {  	_ =	shalt  }
0x7e: {  	_ =	shalt  }
0x7f: {  	_ =	shalt  }
0x80: {  	_ =	shalt  }
0x81: {  	_ =	shalt  }
0x82: {  	_ =	shalt  }
0x83: {  	_ =	shalt  }
0x84: {  	_ =	shalt  }
0x85: {  	_ =	shalt  }
0x86: {  	_ =	shalt  }
0x87: {  	_ =	shalt  }
.Lfunc_end0:
.L_simem_size_0:
called_computation_lowered:
.L_overlay_start_0:
0x88: {  	s2 =	sld [smem:$0x3FD9]  }
0x89: {  	s3 =	sld [smem:$0x3FFE];
	_ =	sdelay $0x1  }
0x8a: {  	s1 =	srdreg.scid  }
0x8b: {  	s0 =	sand.u32 $0x1, s1  }
0x8c: {  	s17 =	sshll.u32 s0, $0xA;
	s2 =	sadd.s32 s3, s2  }
0x8d: {  	s2 =	sadd.s32 s2, s17  }
0x8e: {  	[smem:$0x3FC0] =	sst s2  }
0x8f: {  	_ = 	snop  }
0x90: {  	(tm) =	ssettm $0x1  }
0x91: {  	s18 =	sld [smem:$0x3FFB];
	_ =	sdelay $0x3  }
0x92: {  	_ =	strace s18  }
0x93: {  	s2 =	sld [smem:$0x3FFC];
	_ =	sdelay $0x3  }
0x94: {  	_ =	strace s2  }
0x95: {  	s2 =	sld [smem:$0x3FFD];
	_ =	sdelay $0x3  }
0x96: {  	_ =	strace s2  }
0x97: {  	_ =	strace $0x8FFFFFFF  }
0x98: {  	s19 =	sld [smem:$0x3FDB];
	_ =	sdelay $0x1  }
0x99: {  	s20 =	simm.s32 $_scs_section_size  }
0x9a: {  	s4 =	simm.s32 $_size__tile_overlayer_lowered;
	s5 =	simm.s32 $_tile_overlayer_lowered  }
0x9b: {  	s6 =	simm.s32 $0x1BFF;
	s21 =	sshll.u32 s5, $0x1;
	s3 =	sadd.s32 s20, s19  }
0x9c: {  	s22 =	simm.s32 $0x0;
	s4 =	sshll.u32 s4, $0x1;
	s5 =	sadd.s32 s21, s3  }
0x9d: {  	[timem:s22], [sflag:s6] =	dma.local [hbm:s5], s4  }
0x9e: {  	_ =	swait.ge [sflag:s6], s4  }
0x9f: {  	s4 =	ssub.s32 $0x0, s4;
	[sflag:s6] =	ssyncset.done $0x0  }
0xa0: {  	[sflag:s6] =	ssyncadd.s32 s4;
	_ =	sdelay $0x1  }
0xa1: {  	s23 =	simm.s32 $0x1B8B  }
0xa2: {  	_ =	swait.ge [sflag:s23], $0x1  }
0xa3: {  	[sflag:s23] =	ssyncset.done $0x0  }
0xa4: {  	[sflag:s23] =	ssyncadd.s32 $0xFFFFFFFF  }
0xa5: {  	s4 =	sld [smem:$0x0]  }
0xa6: {  	s5 =	sand.u32 $0xFFFFFFFE, s1  }
0xa7: {  	p0 =	sne.s32 s1, s5  }
0xa8: {  	s5 =	sshll.u32 @p0 s5, $0xE  }
0xa9: {  	s5 =	sadd.s32 @p0 $0x11B8D, s5;
	s6 =	sshll.u32 @p0 s4, $0x11  }
0xaa: {  	s5 =	sor.u32 @p0 s6, s5  }
0xab: {  	[sflag:s5] =	ssyncadd.remote.s32 @p0 $0x1;
	_ =	sdelay $0x1  }
0xac: {  	s5 =	simm.s32 @p0 $0x1B8D  }
0xad: {  	_ =	swait.eq @p0 [sflag:s5], $0x1  }
0xae: {  	[sflag:s5] =	ssyncadd.s32 @p0 $0xFFFFFFFF  }
0xaf: {  	s6 =	sshll.u32 @!p0 s1, $0xE  }
0xb0: {  	s6 =	sor.u32 @!p0 $0x4000, s6;
	s5 =	simm.s32 @!p0 $0x1B8D  }
0xb1: {  	s4 =	sshll.u32 @!p0 s4, $0x11;
	s6 =	sadd.s32 @!p0 $0x11B8D, s6;
	_ =	swait.eq @!p0 [sflag:s5], $0x1  }
0xb2: {  	s4 =	sor.u32 @!p0 s4, s6;
	[sflag:s5] =	ssyncadd.s32 @!p0 $0xFFFFFFFF  }
0xb3: {  	s25 =	simm.s32 $0x1B8E;
	s24 =	sld [smem:$0x3FFE];
	[sflag:s4] =	ssyncadd.remote.s32 @!p0 $0x1  }
0xb4: {  	s26 =	simm.s32 $execute0_lowered;
	[smem:$0x3FD2] =	sst s25  }
0xb5: {  	s5 =	sshll.u32 s26, $0x1;
	_ =	strace $0x80000049;
	[dreg:$0x1] =	wrdreg $0xFFFFFFFF  }
0xb6: {  	s28 =	simm.s32 $_size_execute0_lowered;
	s3 =	sadd.s32 s3, s5;
	[dreg:$0x0] =	wrdreg $0x0  }
0xb7: {  	s5 =	sshll.u32 s28, $0x1;
	[dreg:$0x2] =	wrdreg s3  }
0xb8: {  	[dreg:$0x3] =	wrdreg s5  }
0xb9: {  	[dreg:$0x4] =	wrdreg $0xC0  }
0xba: {  	_ =	task [dreg:s22], $0x5FFFF  }
0xbb: {  	[dreg:$0x1] =	wrdreg $0xFFFFFFFF  }
0xbc: {  	[dreg:$0x0] =	wrdreg $0x60  }
0xbd: {  	[dreg:$0x2] =	wrdreg s24  }
0xbe: {  	[dreg:$0x3] =	wrdreg $0x9  }
0xbf: {  	_ =	task.clear_ibuf [dreg:s22], $0x4FFFF;
	_ =	strace $0x90000049  }
0xc0: {  	s29 =	simm.s32 $0x9;
	_ =	strace $0x8000004B  }
0xc1: {  	_ =	swait.ge [sflag:s29], $0x1  }
0xc2: {  	[sflag:s29] =	ssyncadd.s32 $0xFFFFFFFF  }
0xc3: {  	_ =	strace $0x9000004B  }
0xc4: {  	_ =	sfence  }
0xc5: {  	s30 =	sld [smem:$0x0];
	_ =	sdelay $0x2  }
0xc6: {  	s31 =	sshll.u32 s1, $0xD;
	s1 =	sshrl.u32 s1, $0x2  }
0xc7: {  	s4 =	sand.u32 $0x4000, s31;
	s1 =	sadd.s32 s1, s30  }
0xc8: {  	s0 =	sor.u32 s4, s0;
	s1 =	sshll.u32 s1, $0x11  }
0xc9: {  	s0 =	sor.u32 s1, s0  }
0xca: {  	s0 =	sadd.s32 $0x8F2B, s0  }
0xcb: {  	[sflag:s0] =	ssyncadd.remote.s32 $0x1  }
0xcc: {  	_ =	sfence.sel $0xFFFF  }
0xcd: {  	[dreg:$0x0] =	wrdreg $0xFFFFFFFF;
	(pc) =	sbr.abs _section_cstart, $3  }
0xce: {  	[dreg:$0x1] =	wrdreg $0xFFFFFFFF  }
0xcf: {  	_ =	task.clear_ibuf [dreg:s22], $0x2FFFF;
	_ =	strace $0x9FFFFFFF  }
0xd0: {  	(tm) =	ssettm $0x7FFFFFFF  }
0xd1: {  	_ =	shalt  }
tec
execute0_lowered:
.L_overlay_start_1:
0x0: {  	(tag) =	ssettag $0x1  }
0x1: {  	s1 =	srdreg.scid  }
0x2: {  	s0 =	stileid.u32;
	s4 =	rddreg [dreg:$0x0]  }
0x3: {  	s2 =	simm.s32 $0x0;
	s9 =	simm.s32 $0x6800;
	s10 =	simm.s32 $0x6E80  }
0x4: {  	s11 =	simm.s32 $0x1;
	s3 =	sand.u32 $0x1, s1;
	s31 =	sshll.u32 s0, $0x1  }
0x5: {  	s12 =	simm.s32 $0x0;
	s1 =	rddreg [dreg:$0x1];
	s5 =	sor.u32 s3, s31  }
0x6: {  	[smem:$0x7FF] =	sst s2;
	s7 =	ssub.s32 $0x2, s3;
	s6 =	smul.u32 $0xD0, s5  }
0x7: {  	_ =	strace $0x8000004A;
	s5 =	smul.u32 $0xD00, s5;
	s8 =	sshrl.u32 s7, $0x1  }
0x8: {  	s3 =	sadd.s32 $0x1600, s4;
	s7 =	ssub.s32 s7, s8;
	s6 =	sadd.s32 s6, s4  }
0x9: {  	v0 =	vlaneseq.u32;
	s8 =	simm.s32 $0x680;
	s5 =	sadd.s32 s5, s4;
	s4 =	sadd.s32 $0x512A00, s6  }
0xa: {  	v1 =	vmul.u32 $0x186A0, v0;
	s5 =	sadd.s32 $0x514400, s5;
	s6 =	smax.u32 s7, $0x1;
	s7 =	simm.s32 $0x2  }
.LBB2_1:
0xb: {  	s13 =	smul.u32 $0x4EC5, s2;
	v2 =	vmov s2  }
0xc: {  	[tilespmem:s2], [sflag:$0x2] =	stream.linear.gather [hbm4b:s4+s2], $0x680, $0x38;
	[tilespmem:$0xD680] =	vst v63  }
0xd: {  	_ =	swait.ge [sflag:s7], $0x680  }
0xe: {  	s13 =	sshrl.u32 s13, $0x13;
	[sflag:s7] =	ssyncset.done $0x0  }
0xf: {  	s13 =	smul.u32 $0x1A, s13;
	[sflag:s7] =	ssyncadd.s32 $0xFFFFF980  }
0x10: {  	v2 =	vld.idx.msk [tilespmem:v2+s2+$0x0], $0xffff  }
0x11: {  	s14 =	ssub.s32 $0x0, s13  }
0x12: {  	v4 =	vor.u32 s2, v0;
	s13 =	simm.s32 $0x1;
	s14 =	sand.u32 $0xFFFF, s14  }
0x13: {  	s15 =	simm.s32 $0x2;
	v3 =	vmov s13;
	s16 =	smul.u32 $0x186A00, s14;
	s14 =	simm.s32 $0x0  }
.LBB2_2:
0x14: {  	p0 =	sne.s32 s15, $0x67F;
	s17 =	smul.u32 $0x4EC5, s13  }
0x15: {  	v2 =	vadd.s32 s16, v2  }
0x16: {  	v2 =	vadd.s32 v1, v2;
	s16 =	sshrl.u32 s17, $0x13  }
0x17: {  	[tilespmem:v4+s8+$0x0] =	vst.idx.msk $0xffff, v2;
	s16 =	smul.u32 $0x1A, s16  }
.Ltmp0:
0x18: {  	v2 =	vld.idx.msk [tilespmem:v3+s2+$0x0], $0xffff;
	(pc) =	sbr.rel @p0 .LBB2_2-.Ltmp0, $4  }
0x19: {  	_ = 	snop  }
0x1a: {  	s14 =	sadd.s32 $0x10, s14;
	s16 =	ssub.s32 s13, s16;
	s13 =	smov.u32 s15  }
0x1b: {  	v4 =	vor.u32 s14, v0;
	s16 =	sand.u32 $0xFFFF, s16  }
0x1c: {  	s15 =	sadd.s32 $0x1, s15;
	v3 =	vmov s13;
	s16 =	smul.u32 $0x186A00, s16  }
0x1d: {  	_ = 	snop  }
0x1e: {  	s15 =	smul.u32 $0x4EC5, s13  }
0x1f: {  	v2 =	vadd.s32 s16, v2  }
0x20: {  	v2 =	vadd.s32 v1, v2;
	s15 =	sshrl.u32 s15, $0x13  }
0x21: {  	[tilespmem:v4+s8+$0x0] =	vst.idx.msk $0xffff, v2;
	s15 =	smul.u32 $0x1A, s15  }
0x22: {  	v2 =	vld.idx.msk [tilespmem:v3+s2+$0x0], $0xffff  }
0x23: {  	s14 =	sadd.s32 $0x10, s14;
	s31 =	ssub.s32 s13, s15  }
0x24: {  	v3 =	vor.u32 s14, v0;
	s13 =	sand.u32 $0xFFFF, s31  }
0x25: {  	s13 =	smul.u32 $0x186A00, s13;
	_ =	sdelay $0x1  }
0x26: {  	v2 =	vadd.s32 s13, v2  }
0x27: {  	v2 =	vadd.s32 v1, v2  }
0x28: {  	[tilespmem:v3+s8+$0x0] =	vst.idx.msk $0xffff, v2  }
0x29: {  	[tilespmem:s10], [sflag:$0x1] =	stream.indirect.gather [hbm4b:s3+s9], $0x1, s8, s9, $0xb8;
	[tilespmem:$0xD680] =	vst v63  }
0x2a: {  	s12 =	sadd.s32 $0x1, s12;
	_ =	swait.ge [sflag:s11], $0x6800  }
0x2b: {  	p0 =	sne.s32 s12, s6;
	[sflag:s11] =	ssyncset.done $0x0  }
.Ltmp1:
0x2c: {  	[sflag:s11] =	ssyncadd.s32 $0xFFFF9800;
	(pc) =	sbr.rel @p0 .LBB2_1-.Ltmp1, $4  }
0x2d: {  	[hbm4b:s5+s2] =	stream.linear.scatter [tilespmem:s10], [sflag:$0x2], $0x6800, $0x38;
	[tilespmem:$0xD680] =	vst v63  }
0x2e: {  	_ =	swait.ge [sflag:s7], $0x6800  }
0x2f: {  	[sflag:s7] =	ssyncset.done $0x0  }
0x30: {  	[sflag:s7] =	ssyncadd.s32 $0xFFFF9800  }
0x31: {  	_ =	sfence.sel $0x180000  }
0x32: {  	[bflag:$0x0] =	sbarrier.arrive $0xFFFF  }
0x33: {  	p0 =	sne.s32 s0, $0x0;
	_ =	strace $0x9000004A  }
0x34: {  	s0 =	sadd.s32 @!p0 $0x100000, s1;
	[bflag:$0x2] =	sbarrier.arrive $0xFFFF  }
0x35: {  	[sflag:s0] =	ssyncadd.tile.s32 @!p0 $0x1;
	_ =	shalt  }
.Lfunc_end2:
_tile_overlayer_lowered:
.L_overlay_start_2:
0x36: {  	(tag) =	ssettag $0x2  }
0x37: {  	s0 =	rddreg [dreg:$0x0];
	s2 =	stileid.u32  }
0x38: {  	s1 =	rddreg [dreg:$0x1];
	p0 =	sne.s32 s2, $0x0  }
0x39: {  	s3 =	rddreg [dreg:$0x2];
	[bflag:$0x3] =	sbarrier.arrive $0xFFFF;
	s2 =	simm.s32 @!p0 $0x1C02  }
0x3a: {  	[timem:s3], [sflag:s2] =	dma.local @!p0 [hbm:s0], s1  }
0x3b: {  	s0 =	simm.s32 @!p0 $0x2  }
0x3c: {  	_ =	swait.ge @!p0 [sflag:s0], s1  }
0x3d: {  	s1 =	ssub.s32 @!p0 $0x0, s1;
	[sflag:s0] =	ssyncset.done @!p0 $0x0  }
0x3e: {  	[sflag:s0] =	ssyncadd.s32 @!p0 s1  }
0x3f: {  	[bflag:$0x3] =	sbarrier.arrive $0xFFFF  }
0x40: {  	_ =	shalt  }

// kernel: kernel.9.cloned.1.call-start
scs
__scs_entry_jumppad:
0x0: {  	(pc) =	sbr.rel $0x88, $3  }
0x1: {  	(tag) =	ssettag $0x0;
	lr =	simm.s32 $0x1  }
0x2: {  	[smem:$0x3F99] =	sst lr;
	_ =	strace $0xD0000000  }
0x3: {  	_ = 	snop  }
0x4: {  	_ = 	snop  }
0x5: {  	_ = 	snop  }
0x6: {  	_ = 	snop  }
0x7: {  	_ = 	snop  }
__scs_overlays_trampoline_lowered:
0x8: {  	[smem:$0x3FA8] =	sst s0  }
0x9: {  	[smem:$0x3FA9] =	sst s1  }
0xa: {  	[smem:$0x3FAA] =	sst s2  }
0xb: {  	[smem:$0x3FAB] =	sst s3  }
0xc: {  	[smem:$0x3FAC] =	sst s4  }
0xd: {  	[smem:$0x3FAD] =	sst s5  }
0xe: {  	[smem:$0x3FAE] =	sst s6  }
0xf: {  	[smem:$0x3FAF] =	sst s7  }
0x10: {  	[smem:$0x3FB0] =	sst s8  }
0x11: {  	[smem:$0x3FB1] =	sst s9;
	s0 =	simm.s32 @!p0 $0x0  }
0x12: {  	s1 =	sld [smem:$0x3F97];
	s0 =	simm.s32 @p0 $0x1  }
0x13: {  	[smem:$0x3FB2] =	sst s0;
	s0 =	simm.s32 @!p1 $0x0  }
0x14: {  	s2 =	sld [smem:$0x3F96];
	s0 =	simm.s32 @p1 $0x1  }
0x15: {  	[smem:$0x3FB3] =	sst s0;
	s0 =	simm.s32 @!p2 $0x0  }
0x16: {  	s3 =	sld [smem:$0x3FDB];
	s0 =	simm.s32 @p2 $0x1  }
0x17: {  	s4 =	simm.s32 $0x1BF5;
	[smem:$0x3FB5] =	sst s0  }
0x18: {  	s0 =	sld [smem:$0x3F98];
	_ =	swait.ge [sflag:s4], $0x0  }
0x19: {  	s7 =	sld [smem:$0x3F99]  }
0x1a: {  	s8 =	sadd.s32 $0xFFFFE003, lr  }
0x1b: {  	s9 =	sadd.s32 $0xFFFFFEF7, lr;
	s5 =	simm.s32 $0xFFFFFFFF;
	p2 =	slt.u32 s8, $0xFFFFF086  }
0x1c: {  	p1 =	slt.u32 s9, $0xF7A;
	s5 =	simm.s32 @!p2 $0x0  }
0x1d: {  	s5 =	simm.s32 @p1 $0x1;
	p0 =	seq.s32 s7, s2  }
0x1e: {  	s7 =	smul.u32 @!p0 $0xF7A, s2;
	p2 =	seq.s32 @!p0 s5, $0x0  }
0x1f: {  	s9 =	smul.u32 $0xF7A, s1;
	s8 =	simm.s32 @!p0 $0x1BF5;
	p2 =	por !p2, p0  }
0x20: {  	[sflag:s8] =	ssyncset.s32 @!p0 $0xFFFFF086;
	s6 =	sadd.s32 @!p0 s3, s7;
	s7 =	simm.s32 @!p0 $0x108  }
0x21: {  	s3 =	sadd.s32 s3, s9;
	s6 =	sadd.s32 @!p0 $0x88, s6;
	s7 =	simm.s32 @p2 $0x1082  }
0x22: {  	[simem:s7], [sflag:s8] =	dma.local @!p0 [hbm:s6], $0xF7A  }
0x23: {  	s9 =	sor.u32 $0xD0000000, s2;
	s6 =	simm.s32 $0x108;
	_ =	swait.ge @!p0 [sflag:s8], $0x0  }
0x24: {  	s3 =	sadd.s32 $0x88, s3;
	s6 =	simm.s32 @!p1 $0x1082;
	[sflag:s4] =	ssyncset.s32 $0xFFFFF086  }
0x25: {  	[simem:s6], [sflag:s4] =	dma.local [hbm:s3], $0xF7A  }
0x26: {  	[smem:$0x3F99] =	sst s1;
	(tag) =	ssettag s2;
	_ =	strace s9  }
0x27: {  	s1 =	sld [smem:$0x3FA9]  }
0x28: {  	s2 =	sld [smem:$0x3FAA]  }
0x29: {  	s4 =	sld [smem:$0x3FAC]  }
0x2a: {  	p0 =	seq.s32 s5, $0x0;
	s5 =	sld [smem:$0x3FAD]  }
0x2b: {  	s6 =	sld [smem:$0x3FAE]  }
0x2c: {  	s7 =	sld [smem:$0x3FAF]  }
0x2d: {  	s3 =	simm.s32 $0x108;
	s8 =	sld [smem:$0x3FB0]  }
0x2e: {  	s3 =	simm.s32 @!p0 $0x1082;
	s9 =	sld [smem:$0x3FB1]  }
0x2f: {  	lr =	sadd.s32 s0, s3;
	s0 =	sld [smem:$0x3FA8]  }
0x30: {  	s3 =	sld [smem:$0x3FAB]  }
0x31: {  	[smem:$0x3FB4] =	sst s10  }
0x32: {  	s10 =	sld [smem:$0x3FB2];
	_ =	sdelay $0x3  }
0x33: {  	p0 =	seq.s32 s10, $0x1;
	s10 =	sld [smem:$0x3FB4];
	_ =	sdelay $0x3  }
0x34: {  	[smem:$0x3FB4] =	sst s10  }
0x35: {  	s10 =	sld [smem:$0x3FB3];
	_ =	sdelay $0x3  }
0x36: {  	p1 =	seq.s32 s10, $0x1;
	s10 =	sld [smem:$0x3FB4];
	_ =	sdelay $0x3  }
0x37: {  	[smem:$0x3FB4] =	sst s10  }
0x38: {  	s10 =	sld [smem:$0x3FB5]  }
0x39: {  	_ = 	snop;
	(pc) =	sbr.ind lr, $3  }
0x3a: {  	_ = 	snop  }
0x3b: {  	_ = 	snop  }
0x3c: {  	p2 =	seq.s32 s10, $0x1;
	s10 =	sld [smem:$0x3FB4]  }
0x3d: {  	_ =	shalt  }
0x3e: {  	_ =	shalt  }
0x3f: {  	_ =	shalt  }
0x40: {  	_ =	shalt  }
0x41: {  	_ =	shalt  }
0x42: {  	_ =	shalt  }
0x43: {  	_ =	shalt  }
0x44: {  	_ =	shalt  }
0x45: {  	_ =	shalt  }
0x46: {  	_ =	shalt  }
0x47: {  	_ =	shalt  }
0x48: {  	_ =	shalt  }
0x49: {  	_ =	shalt  }
0x4a: {  	_ =	shalt  }
0x4b: {  	_ =	shalt  }
0x4c: {  	_ =	shalt  }
0x4d: {  	_ =	shalt  }
0x4e: {  	_ =	shalt  }
0x4f: {  	_ =	shalt  }
0x50: {  	_ =	shalt  }
0x51: {  	_ =	shalt  }
0x52: {  	_ =	shalt  }
0x53: {  	_ =	shalt  }
0x54: {  	_ =	shalt  }
0x55: {  	_ =	shalt  }
0x56: {  	_ =	shalt  }
0x57: {  	_ =	shalt  }
0x58: {  	_ =	shalt  }
0x59: {  	_ =	shalt  }
0x5a: {  	_ =	shalt  }
0x5b: {  	_ =	shalt  }
0x5c: {  	_ =	shalt  }
0x5d: {  	_ =	shalt  }
0x5e: {  	_ =	shalt  }
0x5f: {  	_ =	shalt  }
0x60: {  	_ =	shalt  }
0x61: {  	_ =	shalt  }
0x62: {  	_ =	shalt  }
0x63: {  	_ =	shalt  }
0x64: {  	_ =	shalt  }
0x65: {  	_ =	shalt  }
0x66: {  	_ =	shalt  }
0x67: {  	_ =	shalt  }
0x68: {  	_ =	shalt  }
0x69: {  	_ =	shalt  }
0x6a: {  	_ =	shalt  }
0x6b: {  	_ =	shalt  }
0x6c: {  	_ =	shalt  }
0x6d: {  	_ =	shalt  }
0x6e: {  	_ =	shalt  }
0x6f: {  	_ =	shalt  }
0x70: {  	_ =	shalt  }
0x71: {  	_ =	shalt  }
0x72: {  	_ =	shalt  }
0x73: {  	_ =	shalt  }
0x74: {  	_ =	shalt  }
0x75: {  	_ =	shalt  }
0x76: {  	_ =	shalt  }
0x77: {  	_ =	shalt  }
0x78: {  	_ =	shalt  }
0x79: {  	_ =	shalt  }
0x7a: {  	_ =	shalt  }
0x7b: {  	_ =	shalt  }
0x7c: {  	_ =	shalt  }
0x7d: {  	_ =	shalt  }
0x7e: {  	_ =	shalt  }
0x7f: {  	_ =	shalt  }
0x80: {  	_ =	shalt  }
0x81: {  	_ =	shalt  }
0x82: {  	_ =	shalt  }
0x83: {  	_ =	shalt  }
0x84: {  	_ =	shalt  }
0x85: {  	_ =	shalt  }
0x86: {  	_ =	shalt  }
0x87: {  	_ =	shalt  }
.Lfunc_end0:
.L_simem_size_0:
called_computation.1_lowered:
.L_overlay_start_0:
0x88: {  	s2 =	sld [smem:$0x3FD9]  }
0x89: {  	s3 =	sld [smem:$0x3FFE];
	_ =	sdelay $0x1  }
0x8a: {  	s1 =	srdreg.scid  }
0x8b: {  	s0 =	sand.u32 $0x1, s1  }
0x8c: {  	s16 =	sshll.u32 s0, $0xA;
	s2 =	sadd.s32 s3, s2  }
0x8d: {  	s2 =	sadd.s32 s2, s16  }
0x8e: {  	[smem:$0x3FC0] =	sst s2  }
0x8f: {  	_ = 	snop  }
0x90: {  	(tm) =	ssettm $0x1  }
0x91: {  	s17 =	sld [smem:$0x3FFB];
	_ =	sdelay $0x3  }
0x92: {  	_ =	strace s17  }
0x93: {  	s2 =	sld [smem:$0x3FFC];
	_ =	sdelay $0x3  }
0x94: {  	_ =	strace s2  }
0x95: {  	s2 =	sld [smem:$0x3FFD];
	_ =	sdelay $0x3  }
0x96: {  	_ =	strace s2  }
0x97: {  	_ =	strace $0x8FFFFFFF  }
0x98: {  	s18 =	sld [smem:$0x3FDB];
	_ =	sdelay $0x1  }
0x99: {  	s19 =	simm.s32 $_scs_section_size  }
0x9a: {  	s4 =	simm.s32 $_size__tile_overlayer_lowered;
	s5 =	simm.s32 $_tile_overlayer_lowered  }
0x9b: {  	s22 =	simm.s32 $0x1BFF;
	s21 =	sshll.u32 s5, $0x1;
	s2 =	sadd.s32 s19, s18  }
0x9c: {  	s6 =	simm.s32 $0x0;
	s20 =	sshll.u32 s4, $0x1;
	s4 =	sadd.s32 s21, s2  }
0x9d: {  	[timem:s6], [sflag:s22] =	dma.local [hbm:s4], s20  }
0x9e: {  	_ =	swait.ge [sflag:s22], s20  }
0x9f: {  	s3 =	ssub.s32 $0x0, s20;
	[sflag:s22] =	ssyncset.done $0x0  }
0xa0: {  	[sflag:s22] =	ssyncadd.s32 s3;
	_ =	sdelay $0x1  }
0xa1: {  	s23 =	simm.s32 $0x1B8B  }
0xa2: {  	_ =	swait.ge [sflag:s23], $0x1  }
0xa3: {  	[sflag:s23] =	ssyncset.done $0x0  }
0xa4: {  	s25 =	simm.s32 $0x1B8E;
	s24 =	sld [smem:$0x3FFE];
	[sflag:s23] =	ssyncadd.s32 $0xFFFFFFFF  }
0xa5: {  	s26 =	simm.s32 $execute0_lowered;
	[smem:$0x3FD2] =	sst s25  }
0xa6: {  	s4 =	sshll.u32 s26, $0x1;
	_ =	strace $0x80000046;
	[dreg:$0x1] =	wrdreg $0xFFFFFFFF  }
0xa7: {  	s28 =	simm.s32 $_size_execute0_lowered;
	s2 =	sadd.s32 s2, s4;
	[dreg:$0x0] =	wrdreg $0x0  }
0xa8: {  	s4 =	sshll.u32 s28, $0x1;
	[dreg:$0x2] =	wrdreg s2  }
0xa9: {  	[dreg:$0x3] =	wrdreg s4  }
0xaa: {  	[dreg:$0x4] =	wrdreg $0xC0  }
0xab: {  	_ =	task [dreg:s6], $0x5FFFF  }
0xac: {  	[dreg:$0x1] =	wrdreg $0xFFFFFFFF  }
0xad: {  	[dreg:$0x0] =	wrdreg $0x60  }
0xae: {  	[dreg:$0x2] =	wrdreg s24  }
0xaf: {  	[dreg:$0x3] =	wrdreg $0xA  }
0xb0: {  	_ =	task.clear_ibuf [dreg:s6], $0x4FFFF;
	_ =	strace $0x90000046  }
0xb1: {  	s29 =	simm.s32 $0xA;
	_ =	strace $0x80000048  }
0xb2: {  	_ =	swait.ge [sflag:s29], $0x1  }
0xb3: {  	[sflag:s29] =	ssyncadd.s32 $0xFFFFFFFF  }
0xb4: {  	_ =	strace $0x90000048  }
0xb5: {  	_ =	sfence  }
0xb6: {  	s30 =	sld [smem:$0x0];
	_ =	sdelay $0x2  }
0xb7: {  	s31 =	sshll.u32 s1, $0xD;
	s1 =	sshrl.u32 s1, $0x2  }
0xb8: {  	s3 =	sand.u32 $0x4000, s31;
	s1 =	sadd.s32 s1, s30  }
0xb9: {  	s0 =	sor.u32 s3, s0;
	s1 =	sshll.u32 s1, $0x11  }
0xba: {  	s0 =	sor.u32 s1, s0  }
0xbb: {  	s0 =	sadd.s32 $0x8F2B, s0  }
0xbc: {  	[sflag:s0] =	ssyncadd.remote.s32 $0x1  }
0xbd: {  	_ =	sfence.sel $0xFFFF  }
0xbe: {  	[dreg:$0x0] =	wrdreg $0xFFFFFFFF;
	(pc) =	sbr.abs _section_cstart, $3  }
0xbf: {  	[dreg:$0x1] =	wrdreg $0xFFFFFFFF  }
0xc0: {  	_ =	task.clear_ibuf [dreg:s6], $0x2FFFF;
	_ =	strace $0x9FFFFFFF  }
0xc1: {  	(tm) =	ssettm $0x7FFFFFFF  }
tec
execute0_lowered:
.L_overlay_start_1:
0x0: {  	(tag) =	ssettag $0x1  }
0x1: {  	s1 =	srdreg.scid  }
0x2: {  	s0 =	stileid.u32;
	s4 =	rddreg [dreg:$0x0]  }
0x3: {  	s2 =	simm.s32 $0x0;
	s9 =	simm.s32 $0x6800;
	s10 =	simm.s32 $0x6E80  }
0x4: {  	s11 =	simm.s32 $0x1;
	s3 =	sand.u32 $0x1, s1;
	s31 =	sshll.u32 s0, $0x1  }
0x5: {  	s12 =	simm.s32 $0x0;
	s1 =	rddreg [dreg:$0x1];
	s5 =	sor.u32 s3, s31  }
0x6: {  	[smem:$0x7FF] =	sst s2;
	s7 =	ssub.s32 $0x2, s3;
	s6 =	smul.u32 $0xD0, s5  }
0x7: {  	_ =	strace $0x80000047;
	s5 =	smul.u32 $0xD00, s5;
	s8 =	sshrl.u32 s7, $0x1  }
0x8: {  	s3 =	sadd.s32 $0x1600, s4;
	s7 =	ssub.s32 s7, s8;
	s6 =	sadd.s32 s6, s4  }
0x9: {  	v0 =	vlaneseq.u32;
	s8 =	simm.s32 $0x680;
	s5 =	sadd.s32 s5, s4;
	s4 =	sadd.s32 $0x4F7000, s6  }
0xa: {  	v1 =	vmul.u32 $0x186A0, v0;
	s5 =	sadd.s32 $0x4F8A00, s5;
	s6 =	smax.u32 s7, $0x1;
	s7 =	simm.s32 $0x2  }
.LBB2_1:
0xb: {  	s13 =	smul.u32 $0x4EC5, s2;
	v2 =	vmov s2  }
0xc: {  	[tilespmem:s2], [sflag:$0x2] =	stream.linear.gather [hbm4b:s4+s2], $0x680, $0x38;
	[tilespmem:$0xD680] =	vst v63  }
0xd: {  	_ =	swait.ge [sflag:s7], $0x680  }
0xe: {  	s13 =	sshrl.u32 s13, $0x13;
	[sflag:s7] =	ssyncset.done $0x0  }
0xf: {  	s13 =	smul.u32 $0x1A, s13;
	[sflag:s7] =	ssyncadd.s32 $0xFFFFF980  }
0x10: {  	v2 =	vld.idx.msk [tilespmem:v2+s2+$0x0], $0xffff  }
0x11: {  	s14 =	ssub.s32 $0x0, s13  }
0x12: {  	v4 =	vor.u32 s2, v0;
	s13 =	simm.s32 $0x1;
	s14 =	sand.u32 $0xFFFF, s14  }
0x13: {  	s15 =	simm.s32 $0x2;
	v3 =	vmov s13;
	s16 =	smul.u32 $0x186A00, s14;
	s14 =	simm.s32 $0x0  }
.LBB2_2:
0x14: {  	p0 =	sne.s32 s15, $0x67F;
	s17 =	smul.u32 $0x4EC5, s13  }
0x15: {  	v2 =	vadd.s32 s16, v2  }
0x16: {  	v2 =	vadd.s32 v1, v2;
	s16 =	sshrl.u32 s17, $0x13  }
0x17: {  	[tilespmem:v4+s8+$0x0] =	vst.idx.msk $0xffff, v2;
	s16 =	smul.u32 $0x1A, s16  }
.Ltmp0:
0x18: {  	v2 =	vld.idx.msk [tilespmem:v3+s2+$0x0], $0xffff;
	(pc) =	sbr.rel @p0 .LBB2_2-.Ltmp0, $4  }
0x19: {  	_ = 	snop  }
0x1a: {  	s14 =	sadd.s32 $0x10, s14;
	s16 =	ssub.s32 s13, s16;
	s13 =	smov.u32 s15  }
0x1b: {  	v4 =	vor.u32 s14, v0;
	s16 =	sand.u32 $0xFFFF, s16  }
0x1c: {  	s15 =	sadd.s32 $0x1, s15;
	v3 =	vmov s13;
	s16 =	smul.u32 $0x186A00, s16  }
0x1d: {  	_ = 	snop  }
0x1e: {  	s15 =	smul.u32 $0x4EC5, s13  }
0x1f: {  	v2 =	vadd.s32 s16, v2  }
0x20: {  	v2 =	vadd.s32 v1, v2;
	s15 =	sshrl.u32 s15, $0x13  }
0x21: {  	[tilespmem:v4+s8+$0x0] =	vst.idx.msk $0xffff, v2;
	s15 =	smul.u32 $0x1A, s15  }
0x22: {  	v2 =	vld.idx.msk [tilespmem:v3+s2+$0x0], $0xffff  }
0x23: {  	s14 =	sadd.s32 $0x10, s14;
	s31 =	ssub.s32 s13, s15  }
0x24: {  	v3 =	vor.u32 s14, v0;
	s13 =	sand.u32 $0xFFFF, s31  }
0x25: {  	s13 =	smul.u32 $0x186A00, s13;
	_ =	sdelay $0x1  }
0x26: {  	v2 =	vadd.s32 s13, v2  }
0x27: {  	v2 =	vadd.s32 v1, v2  }
0x28: {  	[tilespmem:v3+s8+$0x0] =	vst.idx.msk $0xffff, v2  }
0x29: {  	[tilespmem:s10], [sflag:$0x1] =	stream.indirect.gather [hbm4b:s3+s9], $0x1, s8, s9, $0xb8;
	[tilespmem:$0xD680] =	vst v63  }
0x2a: {  	s12 =	sadd.s32 $0x1, s12;
	_ =	swait.ge [sflag:s11], $0x6800  }
0x2b: {  	p0 =	sne.s32 s12, s6;
	[sflag:s11] =	ssyncset.done $0x0  }
.Ltmp1:
0x2c: {  	[sflag:s11] =	ssyncadd.s32 $0xFFFF9800;
	(pc) =	sbr.rel @p0 .LBB2_1-.Ltmp1, $4  }
0x2d: {  	[hbm4b:s5+s2] =	stream.linear.scatter [tilespmem:s10], [sflag:$0x2], $0x6800, $0x38;
	[tilespmem:$0xD680] =	vst v63  }
0x2e: {  	_ =	swait.ge [sflag:s7], $0x6800  }
0x2f: {  	[sflag:s7] =	ssyncset.done $0x0  }
0x30: {  	[sflag:s7] =	ssyncadd.s32 $0xFFFF9800  }
0x31: {  	_ =	sfence.sel $0x180000  }
0x32: {  	[bflag:$0x0] =	sbarrier.arrive $0xFFFF  }
0x33: {  	p0 =	sne.s32 s0, $0x0;
	_ =	strace $0x90000047  }
0x34: {  	s0 =	sadd.s32 @!p0 $0x100000, s1;
	[bflag:$0x2] =	sbarrier.arrive $0xFFFF  }
0x35: {  	[sflag:s0] =	ssyncadd.tile.s32 @!p0 $0x1;
	_ =	shalt  }
.Lfunc_end2:
_tile_overlayer_lowered:
.L_overlay_start_2:
0x36: {  	(tag) =	ssettag $0x2  }
0x37: {  	s0 =	rddreg [dreg:$0x0];
	s2 =	stileid.u32  }
0x38: {  	s1 =	rddreg [dreg:$0x1];
	p0 =	sne.s32 s2, $0x0  }
0x39: {  	s3 =	rddreg [dreg:$0x2];
	[bflag:$0x3] =	sbarrier.arrive $0xFFFF;
	s2 =	simm.s32 @!p0 $0x1C02  }
0x3a: {  	[timem:s3], [sflag:s2] =	dma.local @!p0 [hbm:s0], s1  }
0x3b: {  	s0 =	simm.s32 @!p0 $0x2  }
0x3c: {  	_ =	swait.ge @!p0 [sflag:s0], s1  }
0x3d: {  	s1 =	ssub.s32 @!p0 $0x0, s1;
	[sflag:s0] =	ssyncset.done @!p0 $0x0  }
0x3e: {  	[sflag:s0] =	ssyncadd.s32 @!p0 s1  }
0x3f: {  	[bflag:$0x3] =	sbarrier.arrive $0xFFFF  }
0x40: {  	_ =	shalt  }

</sc_bundles>
